<compile_context>
chip_gen: v7x
topology: tpu7x:2x2x1
jax: 0.10.2.dev20260603
libtpu: 0.0.44.dev20260713+nightly
codegen_flags: <defaults>
</compile_context>

<pallas_src>
import functools

import jax
import jax.numpy as jnp
from jax import lax
from jax.experimental import pallas as pl
from jax.experimental.pallas import tpu as pltpu
from jax.experimental.pallas import tpu_sc as plsc

DIM = 64
NUM_CORES = 2
NUM_SUBCORES = 16
NUM_WORKERS = NUM_CORES * NUM_SUBCORES
BB = 128


def _embed_sc(xT, W, b, s):
    assert b == NUM_WORKERS * BB and DIM == 64
    mesh = plsc.VectorSubcoreMesh(core_axis_name="c", subcore_axis_name="s")

    @functools.partial(
        pl.kernel,
        mesh=mesh,
        compiler_params=pltpu.CompilerParams(
            use_tc_tiling_on_sc=False, needs_layout_passes=False),
        out_type=jax.ShapeDtypeStruct((s, DIM // 8, b // BB, 8, BB), jnp.float32),
        scratch_types=[
            pltpu.VMEM((s, BB), jnp.int32),
            [pltpu.VMEM((BB, DIM), jnp.float32)] * 2,
            [pltpu.VMEM((DIM // 8, 8, BB), jnp.float32)] * 2,
            [pltpu.SemaphoreType.DMA] * 2,
            [pltpu.SemaphoreType.DMA] * 2,
        ],
    )
    def k(W_hbm, xT_hbm, out_hbm, xv, rows, rT, gsem, ssem):
        wid = lax.axis_index("s") * NUM_CORES + lax.axis_index("c")
        pltpu.sync_copy(xT_hbm.at[:, pl.ds(wid * BB, BB)], xv)

        lane = jnp.arange(16, dtype=jnp.int32)
        idx_b = [lane + (g * 16) for g in range(8)]

        def gather_copy(j, buf):
            return pltpu.make_async_copy(W_hbm.at[xv.at[j]], rows[buf], gsem[buf])

        def store_copy(j, buf):
            return pltpu.make_async_copy(rT[buf], out_hbm.at[j, :, wid], ssem[buf])

        def transpose_block(buf):
            @pl.loop(0, DIM, unroll=2)
            def _(d):
                idx_d = jnp.full((16,), d, dtype=jnp.int32)
                dblk = lax.div(d, 8)
                din = lax.rem(d, 8)
                vs = [plsc.load_gather(rows[buf], [idx_b[g], idx_d])
                      for g in range(8)]
                for g in range(8):
                    rT[buf][dblk, din, pl.ds(g * 16, 16)] = vs[g]

        gather_copy(0, 0).start()
        gather_copy(1, 1).start()
        for j in (0, 1):
            gather_copy(j, j).wait()
            transpose_block(j)
            store_copy(j, j).start()
            gather_copy(j + 2, j).start()

        @pl.loop(2, s - 2, step=2)
        def _(i):
            for buf in range(2):
                j = i + buf
                store_copy(j, buf).wait()
                gather_copy(j, buf).wait()
                transpose_block(buf)
                store_copy(j, buf).start()
                gather_copy(j + 2, buf).start()

        for jj in (s - 2, s - 1):
            buf = jj % 2
            store_copy(jj, buf).wait()
            gather_copy(jj, buf).wait()
            transpose_block(buf)
            store_copy(jj, buf).start()
        for buf in range(2):
            store_copy(s - 2 + buf, buf).wait()

    return k(W, xT)


def kernel(x, W):
    b, s = x.shape
    xT = x.T.astype(jnp.int32)
    out5 = _embed_sc(xT, W.astype(jnp.float32), b, s)
    return out5.transpose(2, 4, 0, 1, 3).reshape(b, s, DIM)

# --- scband reference (transcript-rebuilt; emitter-appended) ---
"""Pipeline reference for scband-embedding-46282567581997 (READ-ONLY COPY).

The authoritative reference and input builder live on the scoring server;
editing this copy changes nothing except your own understanding.
"""

import jax, jax.numpy as jnp
import numpy as np

TOKENS = 16658  # GeneUtils.gene_id_shift + GeneUtils.genes
PAD_ID = 0
DIM = 64

def setup_inputs(seed: int = 0) -> dict:
    key = jax.random.key(seed)
    k1, k2 = jax.random.split(key)
    x = jax.random.randint(k1, (4096, 200), 0, TOKENS, dtype=jnp.int64)
    W = jax.random.normal(k2, (TOKENS, DIM), dtype=jnp.float32)
    W = W.at[PAD_ID].set(0.0)  # padding_idx row is zeros
    return {"x": x, "W": W}

def reference(x, W):
    # torch.nn.Embedding(TOKENS, DIM, padding_idx=0) forward: table lookup
    W = W.at[PAD_ID].set(0.0)
    return jnp.take(W, x, axis=0)

if __name__ == "__main__":
    import jax
    _d = setup_inputs()
    print(jax.jit(kernel)(*tuple(_d.values())))

</pallas_src>

<mosaic_0001>
#map = affine_map<(d0, d1) -> (0, 0)>
#map1 = affine_map<(d0, d1) -> (0, 0, 0, 0, 0)>
module attributes {stable_mosaic.version = 14 : i64} {
  func.func @k(%arg0: i32, %arg1: i32, %arg2: memref<16658x64xf32, #tpu.memory_space<hbm>>, %arg3: memref<200x4096xi32, #tpu.memory_space<hbm>>, %arg4: memref<200x8x32x8x128xf32, #tpu.memory_space<hbm>>, %arg5: memref<200x128xi32, #tpu.memory_space<vmem>>, %arg6: memref<128x64xf32, #tpu.memory_space<vmem>>, %arg7: memref<128x64xf32, #tpu.memory_space<vmem>>, %arg8: memref<8x8x128xf32, #tpu.memory_space<vmem>>, %arg9: memref<8x8x128xf32, #tpu.memory_space<vmem>>, %arg10: memref<!tpu.dma_semaphore, #tpu.memory_space<semaphore_mem>>, %arg11: memref<!tpu.dma_semaphore, #tpu.memory_space<semaphore_mem>>, %arg12: memref<!tpu.dma_semaphore, #tpu.memory_space<semaphore_mem>>, %arg13: memref<!tpu.dma_semaphore, #tpu.memory_space<semaphore_mem>>) attributes {dimension_semantics = [#tpu.dimension_semantics<core_parallel>, #tpu.dimension_semantics<subcore_parallel>], iteration_bounds = array<i64: 2, 16>, scalar_prefetch = 0 : i64, scratch_operands = 9 : i64, tpu.core_type = #tpu.core_type<sc_vector_subcore>, window_params = [{transform_indices = #map}, {transform_indices = #map}, {transform_indices = #map1}]} {
    %mul3A = arith.constant 2 : i32
    %mul3A_0 = arith.muli %arg1, %mul3A : i32
    %add3A = arith.addi %mul3A_0, %arg0 : i32
    %mul3A_1 = arith.constant 128 : i32
    %mul3A_2 = arith.muli %add3A, %mul3A_1 : i32
    "tpu.region"() ({
      %run_scoped3A = tpu.sem_alloc : memref<!tpu.dma_semaphore, #tpu.memory_space<semaphore_mem>>
      %dma_start3A_193 = arith.constant 0 : i32
      %dma_start3A_194 = tpu.memref_slice %arg3[%dma_start3A_193, %mul3A_2] : memref<200x4096xi32, #tpu.memory_space<hbm>> -> memref<200x128xi32, #tpu.memory_space<hbm>>
      %dma_start3A_195 = arith.constant 0 : i32
      %dma_start3A_196 = tpu.memref_slice %arg3[%dma_start3A_195, %mul3A_2] : memref<200x4096xi32, #tpu.memory_space<hbm>> -> memref<200x128xi32, #tpu.memory_space<hbm>>
      tpu.enqueue_dma source(%dma_start3A_196 : memref<200x128xi32, #tpu.memory_space<hbm>>) target(%arg5 : memref<200x128xi32, #tpu.memory_space<vmem>>) target_semaphore(%run_scoped3A : memref<!tpu.dma_semaphore, #tpu.memory_space<semaphore_mem>>)
      %dma_wait3A_197 = arith.constant 0 : i32
      %dma_wait3A_198 = tpu.memref_slice %arg3[%dma_wait3A_197, %mul3A_2] : memref<200x4096xi32, #tpu.memory_space<hbm>> -> memref<200x128xi32, #tpu.memory_space<hbm>>
      %dma_wait3A_199 = arith.constant 0 : i32
      %dma_wait3A_200 = tpu.memref_slice %arg3[%dma_wait3A_199, %mul3A_2] : memref<200x4096xi32, #tpu.memory_space<hbm>> -> memref<200x128xi32, #tpu.memory_space<hbm>>
      tpu.wait_dma2 semaphore(%run_scoped3A : memref<!tpu.dma_semaphore, #tpu.memory_space<semaphore_mem>>) src(%dma_wait3A_200 : memref<200x128xi32, #tpu.memory_space<hbm>>) dst(%arg5 : memref<200x128xi32, #tpu.memory_space<vmem>>)
      tpu.yield
    }) : () -> ()
    %iota3A = tpu.iota {dimensions = array<i32: 0>} : vector<16xi32>
    %add3A_3 = arith.constant 0 : i32
    %add3A_4 = vector.broadcast %add3A_3 : i32 to vector<16xi32>
    %add3A_5 = arith.addi %iota3A, %add3A_4 : vector<16xi32>
    %add3A_6 = arith.constant 16 : i32
    %add3A_7 = vector.broadcast %add3A_6 : i32 to vector<16xi32>
    %add3A_8 = arith.addi %iota3A, %add3A_7 : vector<16xi32>
    %add3A_9 = arith.constant 32 : i32
    %add3A_10 = vector.broadcast %add3A_9 : i32 to vector<16xi32>
    %add3A_11 = arith.addi %iota3A, %add3A_10 : vector<16xi32>
    %add3A_12 = arith.constant 48 : i32
    %add3A_13 = vector.broadcast %add3A_12 : i32 to vector<16xi32>
    %add3A_14 = arith.addi %iota3A, %add3A_13 : vector<16xi32>
    %add3A_15 = arith.constant 64 : i32
    %add3A_16 = vector.broadcast %add3A_15 : i32 to vector<16xi32>
    %add3A_17 = arith.addi %iota3A, %add3A_16 : vector<16xi32>
    %add3A_18 = arith.constant 80 : i32
    %add3A_19 = vector.broadcast %add3A_18 : i32 to vector<16xi32>
    %add3A_20 = arith.addi %iota3A, %add3A_19 : vector<16xi32>
    %add3A_21 = arith.constant 96 : i32
    %add3A_22 = vector.broadcast %add3A_21 : i32 to vector<16xi32>
    %add3A_23 = arith.addi %iota3A, %add3A_22 : vector<16xi32>
    %add3A_24 = arith.constant 112 : i32
    %add3A_25 = vector.broadcast %add3A_24 : i32 to vector<16xi32>
    %add3A_26 = arith.addi %iota3A, %add3A_25 : vector<16xi32>
    %dma_start3A = arith.constant 0 : i32
    %dma_start3A_27 = arith.constant 0 : i32
    %dma_start3A_28 = tpu.memref_slice %arg5[%dma_start3A, %dma_start3A_27] : memref<200x128xi32, #tpu.memory_space<vmem>> -> memref<1x128xi32, #tpu.memory_space<vmem>>
    %dma_start3A_29 = tpu.memref_squeeze %dma_start3A_28 : memref<1x128xi32, #tpu.memory_space<vmem>> -> memref<128xi32, #tpu.memory_space<vmem>>
    %dma_start3A_30 = arith.constant 0 : i32
    %dma_start3A_31 = arith.constant 0 : i32
    %dma_start3A_32 = tpu.memref_slice %arg2[%dma_start3A_30, %dma_start3A_31] : memref<16658x64xf32, #tpu.memory_space<hbm>> -> memref<16658x64xf32, #tpu.memory_space<hbm>>
    tpu.enqueue_indirect_dma source(%dma_start3A_32 : memref<16658x64xf32, #tpu.memory_space<hbm>>) target(%arg6 : memref<128x64xf32, #tpu.memory_space<vmem>>) offsets(%dma_start3A_29 : memref<128xi32, #tpu.memory_space<vmem>>) semaphore(%arg10 : memref<!tpu.dma_semaphore, #tpu.memory_space<semaphore_mem>>)
    %dma_start3A_33 = arith.constant 1 : i32
    %dma_start3A_34 = arith.constant 0 : i32
    %dma_start3A_35 = tpu.memref_slice %arg5[%dma_start3A_33, %dma_start3A_34] : memref<200x128xi32, #tpu.memory_space<vmem>> -> memref<1x128xi32, #tpu.memory_space<vmem>>
    %dma_start3A_36 = tpu.memref_squeeze %dma_start3A_35 : memref<1x128xi32, #tpu.memory_space<vmem>> -> memref<128xi32, #tpu.memory_space<vmem>>
    %dma_start3A_37 = arith.constant 0 : i32
    %dma_start3A_38 = arith.constant 0 : i32
    %dma_start3A_39 = tpu.memref_slice %arg2[%dma_start3A_37, %dma_start3A_38] : memref<16658x64xf32, #tpu.memory_space<hbm>> -> memref<16658x64xf32, #tpu.memory_space<hbm>>
    tpu.enqueue_indirect_dma source(%dma_start3A_39 : memref<16658x64xf32, #tpu.memory_space<hbm>>) target(%arg7 : memref<128x64xf32, #tpu.memory_space<vmem>>) offsets(%dma_start3A_36 : memref<128xi32, #tpu.memory_space<vmem>>) semaphore(%arg11 : memref<!tpu.dma_semaphore, #tpu.memory_space<semaphore_mem>>)
    %dma_wait3A = arith.constant 0 : i32
    %dma_wait3A_40 = arith.constant 0 : i32
    %dma_wait3A_41 = tpu.memref_slice %arg5[%dma_wait3A, %dma_wait3A_40] : memref<200x128xi32, #tpu.memory_space<vmem>> -> memref<1x128xi32, #tpu.memory_space<vmem>>
    %dma_wait3A_42 = tpu.memref_squeeze %dma_wait3A_41 : memref<1x128xi32, #tpu.memory_space<vmem>> -> memref<128xi32, #tpu.memory_space<vmem>>
    %dma_wait3A_43 = arith.constant 0 : i32
    %dma_wait3A_44 = arith.constant 0 : i32
    %dma_wait3A_45 = tpu.memref_slice %arg2[%dma_wait3A_43, %dma_wait3A_44] : memref<16658x64xf32, #tpu.memory_space<hbm>> -> memref<16658x64xf32, #tpu.memory_space<hbm>>
    tpu.wait_indirect_dma semaphore(%arg10 : memref<!tpu.dma_semaphore, #tpu.memory_space<semaphore_mem>>) src(%dma_wait3A_45 : memref<16658x64xf32, #tpu.memory_space<hbm>>) dst(%arg6 : memref<128x64xf32, #tpu.memory_space<vmem>>)
    %scan3A = arith.constant 0 : i32
    %scan3A_46 = arith.constant 64 : i32
    %scan3A_47 = arith.addi %scan3A, %scan3A_46 : i32
    %scan3A_48 = arith.constant 2 : i32
    scf.for %scan3A_193 = %scan3A to %scan3A_47 step %scan3A_48  : i32 {
      %mul3A_194 = arith.constant 1 : i32
      %mul3A_195 = arith.muli %scan3A_193, %mul3A_194 : i32
      %add3A_196 = arith.constant 0 : i32
      %add3A_197 = arith.addi %add3A_196, %mul3A_195 : i32
      %broadcast_in_dim3A = vector.broadcast %add3A_197 : i32 to vector<16xi32>
      %div3A = arith.constant 8 : i32
      %div3A_198 = arith.divsi %add3A_197, %div3A : i32
      %rem3A = arith.constant 8 : i32
      %rem3A_199 = arith.remsi %add3A_197, %rem3A : i32
      %gather3A = tpu.vector_load_idx %arg6[%add3A_5, %broadcast_in_dim3A] : memref<128x64xf32, #tpu.memory_space<vmem>>[vector<16xi32>, vector<16xi32>], vector<16xf32>,
      %gather3A_200 = tpu.vector_load_idx %arg6[%add3A_8, %broadcast_in_dim3A] : memref<128x64xf32, #tpu.memory_space<vmem>>[vector<16xi32>, vector<16xi32>], vector<16xf32>,
      %gather3A_201 = tpu.vector_load_idx %arg6[%add3A_11, %broadcast_in_dim3A] : memref<128x64xf32, #tpu.memory_space<vmem>>[vector<16xi32>, vector<16xi32>], vector<16xf32>,
      %gather3A_202 = tpu.vector_load_idx %arg6[%add3A_14, %broadcast_in_dim3A] : memref<128x64xf32, #tpu.memory_space<vmem>>[vector<16xi32>, vector<16xi32>], vector<16xf32>,
      %gather3A_203 = tpu.vector_load_idx %arg6[%add3A_17, %broadcast_in_dim3A] : memref<128x64xf32, #tpu.memory_space<vmem>>[vector<16xi32>, vector<16xi32>], vector<16xf32>,
      %gather3A_204 = tpu.vector_load_idx %arg6[%add3A_20, %broadcast_in_dim3A] : memref<128x64xf32, #tpu.memory_space<vmem>>[vector<16xi32>, vector<16xi32>], vector<16xf32>,
      %gather3A_205 = tpu.vector_load_idx %arg6[%add3A_23, %broadcast_in_dim3A] : memref<128x64xf32, #tpu.memory_space<vmem>>[vector<16xi32>, vector<16xi32>], vector<16xf32>,
      %gather3A_206 = tpu.vector_load_idx %arg6[%add3A_26, %broadcast_in_dim3A] : memref<128x64xf32, #tpu.memory_space<vmem>>[vector<16xi32>, vector<16xi32>], vector<16xf32>,
      %swap3A = arith.index_cast %div3A_198 : i32 to index
      %swap3A_207 = arith.index_cast %rem3A_199 : i32 to index
      %swap3A_208 = arith.constant 0 : index
      %swap3A_209 = tpu.vector_load %arg8[%swap3A, %swap3A_207, %swap3A_208] {strides = array<i32>} : memref<8x8x128xf32, #tpu.memory_space<vmem>>, vector<16xf32>,
      tpu.vector_store %arg8[%swap3A, %swap3A_207, %swap3A_208], %gather3A {strides = array<i32>} : memref<8x8x128xf32, #tpu.memory_space<vmem>>, vector<16xf32>,
      %swap3A_210 = arith.index_cast %div3A_198 : i32 to index
      %swap3A_211 = arith.index_cast %rem3A_199 : i32 to index
      %swap3A_212 = arith.constant 16 : index
      %swap3A_213 = tpu.vector_load %arg8[%swap3A_210, %swap3A_211, %swap3A_212] {strides = array<i32>} : memref<8x8x128xf32, #tpu.memory_space<vmem>>, vector<16xf32>,
      tpu.vector_store %arg8[%swap3A_210, %swap3A_211, %swap3A_212], %gather3A_200 {strides = array<i32>} : memref<8x8x128xf32, #tpu.memory_space<vmem>>, vector<16xf32>,
      %swap3A_214 = arith.index_cast %div3A_198 : i32 to index
      %swap3A_215 = arith.index_cast %rem3A_199 : i32 to index
      %swap3A_216 = arith.constant 32 : index
      %swap3A_217 = tpu.vector_load %arg8[%swap3A_214, %swap3A_215, %swap3A_216] {strides = array<i32>} : memref<8x8x128xf32, #tpu.memory_space<vmem>>, vector<16xf32>,
      tpu.vector_store %arg8[%swap3A_214, %swap3A_215, %swap3A_216], %gather3A_201 {strides = array<i32>} : memref<8x8x128xf32, #tpu.memory_space<vmem>>, vector<16xf32>,
      %swap3A_218 = arith.index_cast %div3A_198 : i32 to index
      %swap3A_219 = arith.index_cast %rem3A_199 : i32 to index
      %swap3A_220 = arith.constant 48 : index
      %swap3A_221 = tpu.vector_load %arg8[%swap3A_218, %swap3A_219, %swap3A_220] {strides = array<i32>} : memref<8x8x128xf32, #tpu.memory_space<vmem>>, vector<16xf32>,
      tpu.vector_store %arg8[%swap3A_218, %swap3A_219, %swap3A_220], %gather3A_202 {strides = array<i32>} : memref<8x8x128xf32, #tpu.memory_space<vmem>>, vector<16xf32>,
      %swap3A_222 = arith.index_cast %div3A_198 : i32 to index
      %swap3A_223 = arith.index_cast %rem3A_199 : i32 to index
      %swap3A_224 = arith.constant 64 : index
      %swap3A_225 = tpu.vector_load %arg8[%swap3A_222, %swap3A_223, %swap3A_224] {strides = array<i32>} : memref<8x8x128xf32, #tpu.memory_space<vmem>>, vector<16xf32>,
      tpu.vector_store %arg8[%swap3A_222, %swap3A_223, %swap3A_224], %gather3A_203 {strides = array<i32>} : memref<8x8x128xf32, #tpu.memory_space<vmem>>, vector<16xf32>,
      %swap3A_226 = arith.index_cast %div3A_198 : i32 to index
      %swap3A_227 = arith.index_cast %rem3A_199 : i32 to index
      %swap3A_228 = arith.constant 80 : index
      %swap3A_229 = tpu.vector_load %arg8[%swap3A_226, %swap3A_227, %swap3A_228] {strides = array<i32>} : memref<8x8x128xf32, #tpu.memory_space<vmem>>, vector<16xf32>,
      tpu.vector_store %arg8[%swap3A_226, %swap3A_227, %swap3A_228], %gather3A_204 {strides = array<i32>} : memref<8x8x128xf32, #tpu.memory_space<vmem>>, vector<16xf32>,
      %swap3A_230 = arith.index_cast %div3A_198 : i32 to index
      %swap3A_231 = arith.index_cast %rem3A_199 : i32 to index
      %swap3A_232 = arith.constant 96 : index
      %swap3A_233 = tpu.vector_load %arg8[%swap3A_230, %swap3A_231, %swap3A_232] {strides = array<i32>} : memref<8x8x128xf32, #tpu.memory_space<vmem>>, vector<16xf32>,
      tpu.vector_store %arg8[%swap3A_230, %swap3A_231, %swap3A_232], %gather3A_205 {strides = array<i32>} : memref<8x8x128xf32, #tpu.memory_space<vmem>>, vector<16xf32>,
      %swap3A_234 = arith.index_cast %div3A_198 : i32 to index
      %swap3A_235 = arith.index_cast %rem3A_199 : i32 to index
      %swap3A_236 = arith.constant 112 : index
      %swap3A_237 = tpu.vector_load %arg8[%swap3A_234, %swap3A_235, %swap3A_236] {strides = array<i32>} : memref<8x8x128xf32, #tpu.memory_space<vmem>>, vector<16xf32>,
      tpu.vector_store %arg8[%swap3A_234, %swap3A_235, %swap3A_236], %gather3A_206 {strides = array<i32>} : memref<8x8x128xf32, #tpu.memory_space<vmem>>, vector<16xf32>,
      %scan3A_238 = arith.constant 1 : i32
      %scan3A_239 = arith.addi %scan3A_193, %scan3A_238 : i32
      %mul3A_240 = arith.constant 1 : i32
      %mul3A_241 = arith.muli %scan3A_239, %mul3A_240 : i32
      %add3A_242 = arith.constant 0 : i32
      %add3A_243 = arith.addi %add3A_242, %mul3A_241 : i32
      %broadcast_in_dim3A_244 = vector.broadcast %add3A_243 : i32 to vector<16xi32>
      %div3A_245 = arith.constant 8 : i32
      %div3A_246 = arith.divsi %add3A_243, %div3A_245 : i32
      %rem3A_247 = arith.constant 8 : i32
      %rem3A_248 = arith.remsi %add3A_243, %rem3A_247 : i32
      %gather3A_249 = tpu.vector_load_idx %arg6[%add3A_5, %broadcast_in_dim3A_244] : memref<128x64xf32, #tpu.memory_space<vmem>>[vector<16xi32>, vector<16xi32>], vector<16xf32>,
      %gather3A_250 = tpu.vector_load_idx %arg6[%add3A_8, %broadcast_in_dim3A_244] : memref<128x64xf32, #tpu.memory_space<vmem>>[vector<16xi32>, vector<16xi32>], vector<16xf32>,
      %gather3A_251 = tpu.vector_load_idx %arg6[%add3A_11, %broadcast_in_dim3A_244] : memref<128x64xf32, #tpu.memory_space<vmem>>[vector<16xi32>, vector<16xi32>], vector<16xf32>,
      %gather3A_252 = tpu.vector_load_idx %arg6[%add3A_14, %broadcast_in_dim3A_244] : memref<128x64xf32, #tpu.memory_space<vmem>>[vector<16xi32>, vector<16xi32>], vector<16xf32>,
      %gather3A_253 = tpu.vector_load_idx %arg6[%add3A_17, %broadcast_in_dim3A_244] : memref<128x64xf32, #tpu.memory_space<vmem>>[vector<16xi32>, vector<16xi32>], vector<16xf32>,
      %gather3A_254 = tpu.vector_load_idx %arg6[%add3A_20, %broadcast_in_dim3A_244] : memref<128x64xf32, #tpu.memory_space<vmem>>[vector<16xi32>, vector<16xi32>], vector<16xf32>,
      %gather3A_255 = tpu.vector_load_idx %arg6[%add3A_23, %broadcast_in_dim3A_244] : memref<128x64xf32, #tpu.memory_space<vmem>>[vector<16xi32>, vector<16xi32>], vector<16xf32>,
      %gather3A_256 = tpu.vector_load_idx %arg6[%add3A_26, %broadcast_in_dim3A_244] : memref<128x64xf32, #tpu.memory_space<vmem>>[vector<16xi32>, vector<16xi32>], vector<16xf32>,
      %swap3A_257 = arith.index_cast %div3A_246 : i32 to index
      %swap3A_258 = arith.index_cast %rem3A_248 : i32 to index
      %swap3A_259 = arith.constant 0 : index
      %swap3A_260 = tpu.vector_load %arg8[%swap3A_257, %swap3A_258, %swap3A_259] {strides = array<i32>} : memref<8x8x128xf32, #tpu.memory_space<vmem>>, vector<16xf32>,
      tpu.vector_store %arg8[%swap3A_257, %swap3A_258, %swap3A_259], %gather3A_249 {strides = array<i32>} : memref<8x8x128xf32, #tpu.memory_space<vmem>>, vector<16xf32>,
      %swap3A_261 = arith.index_cast %div3A_246 : i32 to index
      %swap3A_262 = arith.index_cast %rem3A_248 : i32 to index
      %swap3A_263 = arith.constant 16 : index
      %swap3A_264 = tpu.vector_load %arg8[%swap3A_261, %swap3A_262, %swap3A_263] {strides = array<i32>} : memref<8x8x128xf32, #tpu.memory_space<vmem>>, vector<16xf32>,
      tpu.vector_store %arg8[%swap3A_261, %swap3A_262, %swap3A_263], %gather3A_250 {strides = array<i32>} : memref<8x8x128xf32, #tpu.memory_space<vmem>>, vector<16xf32>,
      %swap3A_265 = arith.index_cast %div3A_246 : i32 to index
      %swap3A_266 = arith.index_cast %rem3A_248 : i32 to index
      %swap3A_267 = arith.constant 32 : index
      %swap3A_268 = tpu.vector_load %arg8[%swap3A_265, %swap3A_266, %swap3A_267] {strides = array<i32>} : memref<8x8x128xf32, #tpu.memory_space<vmem>>, vector<16xf32>,
      tpu.vector_store %arg8[%swap3A_265, %swap3A_266, %swap3A_267], %gather3A_251 {strides = array<i32>} : memref<8x8x128xf32, #tpu.memory_space<vmem>>, vector<16xf32>,
      %swap3A_269 = arith.index_cast %div3A_246 : i32 to index
      %swap3A_270 = arith.index_cast %rem3A_248 : i32 to index
      %swap3A_271 = arith.constant 48 : index
      %swap3A_272 = tpu.vector_load %arg8[%swap3A_269, %swap3A_270, %swap3A_271] {strides = array<i32>} : memref<8x8x128xf32, #tpu.memory_space<vmem>>, vector<16xf32>,
      tpu.vector_store %arg8[%swap3A_269, %swap3A_270, %swap3A_271], %gather3A_252 {strides = array<i32>} : memref<8x8x128xf32, #tpu.memory_space<vmem>>, vector<16xf32>,
      %swap3A_273 = arith.index_cast %div3A_246 : i32 to index
      %swap3A_274 = arith.index_cast %rem3A_248 : i32 to index
      %swap3A_275 = arith.constant 64 : index
      %swap3A_276 = tpu.vector_load %arg8[%swap3A_273, %swap3A_274, %swap3A_275] {strides = array<i32>} : memref<8x8x128xf32, #tpu.memory_space<vmem>>, vector<16xf32>,
      tpu.vector_store %arg8[%swap3A_273, %swap3A_274, %swap3A_275], %gather3A_253 {strides = array<i32>} : memref<8x8x128xf32, #tpu.memory_space<vmem>>, vector<16xf32>,
      %swap3A_277 = arith.index_cast %div3A_246 : i32 to index
      %swap3A_278 = arith.index_cast %rem3A_248 : i32 to index
      %swap3A_279 = arith.constant 80 : index
      %swap3A_280 = tpu.vector_load %arg8[%swap3A_277, %swap3A_278, %swap3A_279] {strides = array<i32>} : memref<8x8x128xf32, #tpu.memory_space<vmem>>, vector<16xf32>,
      tpu.vector_store %arg8[%swap3A_277, %swap3A_278, %swap3A_279], %gather3A_254 {strides = array<i32>} : memref<8x8x128xf32, #tpu.memory_space<vmem>>, vector<16xf32>,
      %swap3A_281 = arith.index_cast %div3A_246 : i32 to index
      %swap3A_282 = arith.index_cast %rem3A_248 : i32 to index
      %swap3A_283 = arith.constant 96 : index
      %swap3A_284 = tpu.vector_load %arg8[%swap3A_281, %swap3A_282, %swap3A_283] {strides = array<i32>} : memref<8x8x128xf32, #tpu.memory_space<vmem>>, vector<16xf32>,
      tpu.vector_store %arg8[%swap3A_281, %swap3A_282, %swap3A_283], %gather3A_255 {strides = array<i32>} : memref<8x8x128xf32, #tpu.memory_space<vmem>>, vector<16xf32>,
      %swap3A_285 = arith.index_cast %div3A_246 : i32 to index
      %swap3A_286 = arith.index_cast %rem3A_248 : i32 to index
      %swap3A_287 = arith.constant 112 : index
      %swap3A_288 = tpu.vector_load %arg8[%swap3A_285, %swap3A_286, %swap3A_287] {strides = array<i32>} : memref<8x8x128xf32, #tpu.memory_space<vmem>>, vector<16xf32>,
      tpu.vector_store %arg8[%swap3A_285, %swap3A_286, %swap3A_287], %gather3A_256 {strides = array<i32>} : memref<8x8x128xf32, #tpu.memory_space<vmem>>, vector<16xf32>,
    }
    %scan3A_49 = arith.constant 64 : i32
    %dma_start3A_50 = arith.constant 0 : i32
    %dma_start3A_51 = arith.constant 0 : i32
    %dma_start3A_52 = arith.constant 0 : i32
    %dma_start3A_53 = arith.constant 0 : i32
    %dma_start3A_54 = tpu.memref_slice %arg4[%dma_start3A_50, %dma_start3A_51, %add3A, %dma_start3A_52, %dma_start3A_53] : memref<200x8x32x8x128xf32, #tpu.memory_space<hbm>> -> memref<1x8x1x8x128xf32, #tpu.memory_space<hbm>>
    %dma_start3A_55 = tpu.memref_squeeze %dma_start3A_54 : memref<1x8x1x8x128xf32, #tpu.memory_space<hbm>> -> memref<8x8x128xf32, #tpu.memory_space<hbm>>
    %dma_start3A_56 = arith.constant 0 : i32
    %dma_start3A_57 = arith.constant 0 : i32
    %dma_start3A_58 = arith.constant 0 : i32
    %dma_start3A_59 = tpu.memref_slice %arg4[%dma_start3A_50, %dma_start3A_56, %add3A, %dma_start3A_57, %dma_start3A_58] : memref<200x8x32x8x128xf32, #tpu.memory_space<hbm>> -> memref<1x8x1x8x128xf32, #tpu.memory_space<hbm>>
    %dma_start3A_60 = tpu.memref_squeeze %dma_start3A_59 : memref<1x8x1x8x128xf32, #tpu.memory_space<hbm>> -> memref<8x8x128xf32, #tpu.memory_space<hbm>>
    tpu.enqueue_dma source(%arg8 : memref<8x8x128xf32, #tpu.memory_space<vmem>>) target(%dma_start3A_60 : memref<8x8x128xf32, #tpu.memory_space<hbm>>) target_semaphore(%arg12 : memref<!tpu.dma_semaphore, #tpu.memory_space<semaphore_mem>>)
    %dma_start3A_61 = arith.constant 2 : i32
    %dma_start3A_62 = arith.constant 0 : i32
    %dma_start3A_63 = tpu.memref_slice %arg5[%dma_start3A_61, %dma_start3A_62] : memref<200x128xi32, #tpu.memory_space<vmem>> -> memref<1x128xi32, #tpu.memory_space<vmem>>
    %dma_start3A_64 = tpu.memref_squeeze %dma_start3A_63 : memref<1x128xi32, #tpu.memory_space<vmem>> -> memref<128xi32, #tpu.memory_space<vmem>>
    %dma_start3A_65 = arith.constant 0 : i32
    %dma_start3A_66 = arith.constant 0 : i32
    %dma_start3A_67 = tpu.memref_slice %arg2[%dma_start3A_65, %dma_start3A_66] : memref<16658x64xf32, #tpu.memory_space<hbm>> -> memref<16658x64xf32, #tpu.memory_space<hbm>>
    tpu.enqueue_indirect_dma source(%dma_start3A_67 : memref<16658x64xf32, #tpu.memory_space<hbm>>) target(%arg6 : memref<128x64xf32, #tpu.memory_space<vmem>>) offsets(%dma_start3A_64 : memref<128xi32, #tpu.memory_space<vmem>>) semaphore(%arg10 : memref<!tpu.dma_semaphore, #tpu.memory_space<semaphore_mem>>)
    %dma_wait3A_68 = arith.constant 1 : i32
    %dma_wait3A_69 = arith.constant 0 : i32
    %dma_wait3A_70 = tpu.memref_slice %arg5[%dma_wait3A_68, %dma_wait3A_69] : memref<200x128xi32, #tpu.memory_space<vmem>> -> memref<1x128xi32, #tpu.memory_space<vmem>>
    %dma_wait3A_71 = tpu.memref_squeeze %dma_wait3A_70 : memref<1x128xi32, #tpu.memory_space<vmem>> -> memref<128xi32, #tpu.memory_space<vmem>>
    %dma_wait3A_72 = arith.constant 0 : i32
    %dma_wait3A_73 = arith.constant 0 : i32
    %dma_wait3A_74 = tpu.memref_slice %arg2[%dma_wait3A_72, %dma_wait3A_73] : memref<16658x64xf32, #tpu.memory_space<hbm>> -> memref<16658x64xf32, #tpu.memory_space<hbm>>
    tpu.wait_indirect_dma semaphore(%arg11 : memref<!tpu.dma_semaphore, #tpu.memory_space<semaphore_mem>>) src(%dma_wait3A_74 : memref<16658x64xf32, #tpu.memory_space<hbm>>) dst(%arg7 : memref<128x64xf32, #tpu.memory_space<vmem>>)
    %scan3A_75 = arith.constant 0 : i32
    %scan3A_76 = arith.constant 64 : i32
    %scan3A_77 = arith.addi %scan3A_75, %scan3A_76 : i32
    %scan3A_78 = arith.constant 2 : i32
    scf.for %scan3A_193 = %scan3A_75 to %scan3A_77 step %scan3A_78  : i32 {
      %mul3A_194 = arith.constant 1 : i32
      %mul3A_195 = arith.muli %scan3A_193, %mul3A_194 : i32
      %add3A_196 = arith.constant 0 : i32
      %add3A_197 = arith.addi %add3A_196, %mul3A_195 : i32
      %broadcast_in_dim3A = vector.broadcast %add3A_197 : i32 to vector<16xi32>
      %div3A = arith.constant 8 : i32
      %div3A_198 = arith.divsi %add3A_197, %div3A : i32
      %rem3A = arith.constant 8 : i32
      %rem3A_199 = arith.remsi %add3A_197, %rem3A : i32
      %gather3A = tpu.vector_load_idx %arg7[%add3A_5, %broadcast_in_dim3A] : memref<128x64xf32, #tpu.memory_space<vmem>>[vector<16xi32>, vector<16xi32>], vector<16xf32>,
      %gather3A_200 = tpu.vector_load_idx %arg7[%add3A_8, %broadcast_in_dim3A] : memref<128x64xf32, #tpu.memory_space<vmem>>[vector<16xi32>, vector<16xi32>], vector<16xf32>,
      %gather3A_201 = tpu.vector_load_idx %arg7[%add3A_11, %broadcast_in_dim3A] : memref<128x64xf32, #tpu.memory_space<vmem>>[vector<16xi32>, vector<16xi32>], vector<16xf32>,
      %gather3A_202 = tpu.vector_load_idx %arg7[%add3A_14, %broadcast_in_dim3A] : memref<128x64xf32, #tpu.memory_space<vmem>>[vector<16xi32>, vector<16xi32>], vector<16xf32>,
      %gather3A_203 = tpu.vector_load_idx %arg7[%add3A_17, %broadcast_in_dim3A] : memref<128x64xf32, #tpu.memory_space<vmem>>[vector<16xi32>, vector<16xi32>], vector<16xf32>,
      %gather3A_204 = tpu.vector_load_idx %arg7[%add3A_20, %broadcast_in_dim3A] : memref<128x64xf32, #tpu.memory_space<vmem>>[vector<16xi32>, vector<16xi32>], vector<16xf32>,
      %gather3A_205 = tpu.vector_load_idx %arg7[%add3A_23, %broadcast_in_dim3A] : memref<128x64xf32, #tpu.memory_space<vmem>>[vector<16xi32>, vector<16xi32>], vector<16xf32>,
      %gather3A_206 = tpu.vector_load_idx %arg7[%add3A_26, %broadcast_in_dim3A] : memref<128x64xf32, #tpu.memory_space<vmem>>[vector<16xi32>, vector<16xi32>], vector<16xf32>,
      %swap3A = arith.index_cast %div3A_198 : i32 to index
      %swap3A_207 = arith.index_cast %rem3A_199 : i32 to index
      %swap3A_208 = arith.constant 0 : index
      %swap3A_209 = tpu.vector_load %arg9[%swap3A, %swap3A_207, %swap3A_208] {strides = array<i32>} : memref<8x8x128xf32, #tpu.memory_space<vmem>>, vector<16xf32>,
      tpu.vector_store %arg9[%swap3A, %swap3A_207, %swap3A_208], %gather3A {strides = array<i32>} : memref<8x8x128xf32, #tpu.memory_space<vmem>>, vector<16xf32>,
      %swap3A_210 = arith.index_cast %div3A_198 : i32 to index
      %swap3A_211 = arith.index_cast %rem3A_199 : i32 to index
      %swap3A_212 = arith.constant 16 : index
      %swap3A_213 = tpu.vector_load %arg9[%swap3A_210, %swap3A_211, %swap3A_212] {strides = array<i32>} : memref<8x8x128xf32, #tpu.memory_space<vmem>>, vector<16xf32>,
      tpu.vector_store %arg9[%swap3A_210, %swap3A_211, %swap3A_212], %gather3A_200 {strides = array<i32>} : memref<8x8x128xf32, #tpu.memory_space<vmem>>, vector<16xf32>,
      %swap3A_214 = arith.index_cast %div3A_198 : i32 to index
      %swap3A_215 = arith.index_cast %rem3A_199 : i32 to index
      %swap3A_216 = arith.constant 32 : index
      %swap3A_217 = tpu.vector_load %arg9[%swap3A_214, %swap3A_215, %swap3A_216] {strides = array<i32>} : memref<8x8x128xf32, #tpu.memory_space<vmem>>, vector<16xf32>,
      tpu.vector_store %arg9[%swap3A_214, %swap3A_215, %swap3A_216], %gather3A_201 {strides = array<i32>} : memref<8x8x128xf32, #tpu.memory_space<vmem>>, vector<16xf32>,
      %swap3A_218 = arith.index_cast %div3A_198 : i32 to index
      %swap3A_219 = arith.index_cast %rem3A_199 : i32 to index
      %swap3A_220 = arith.constant 48 : index
      %swap3A_221 = tpu.vector_load %arg9[%swap3A_218, %swap3A_219, %swap3A_220] {strides = array<i32>} : memref<8x8x128xf32, #tpu.memory_space<vmem>>, vector<16xf32>,
      tpu.vector_store %arg9[%swap3A_218, %swap3A_219, %swap3A_220], %gather3A_202 {strides = array<i32>} : memref<8x8x128xf32, #tpu.memory_space<vmem>>, vector<16xf32>,
      %swap3A_222 = arith.index_cast %div3A_198 : i32 to index
      %swap3A_223 = arith.index_cast %rem3A_199 : i32 to index
      %swap3A_224 = arith.constant 64 : index
      %swap3A_225 = tpu.vector_load %arg9[%swap3A_222, %swap3A_223, %swap3A_224] {strides = array<i32>} : memref<8x8x128xf32, #tpu.memory_space<vmem>>, vector<16xf32>,
      tpu.vector_store %arg9[%swap3A_222, %swap3A_223, %swap3A_224], %gather3A_203 {strides = array<i32>} : memref<8x8x128xf32, #tpu.memory_space<vmem>>, vector<16xf32>,
      %swap3A_226 = arith.index_cast %div3A_198 : i32 to index
      %swap3A_227 = arith.index_cast %rem3A_199 : i32 to index
      %swap3A_228 = arith.constant 80 : index
      %swap3A_229 = tpu.vector_load %arg9[%swap3A_226, %swap3A_227, %swap3A_228] {strides = array<i32>} : memref<8x8x128xf32, #tpu.memory_space<vmem>>, vector<16xf32>,
      tpu.vector_store %arg9[%swap3A_226, %swap3A_227, %swap3A_228], %gather3A_204 {strides = array<i32>} : memref<8x8x128xf32, #tpu.memory_space<vmem>>, vector<16xf32>,
      %swap3A_230 = arith.index_cast %div3A_198 : i32 to index
      %swap3A_231 = arith.index_cast %rem3A_199 : i32 to index
      %swap3A_232 = arith.constant 96 : index
      %swap3A_233 = tpu.vector_load %arg9[%swap3A_230, %swap3A_231, %swap3A_232] {strides = array<i32>} : memref<8x8x128xf32, #tpu.memory_space<vmem>>, vector<16xf32>,
      tpu.vector_store %arg9[%swap3A_230, %swap3A_231, %swap3A_232], %gather3A_205 {strides = array<i32>} : memref<8x8x128xf32, #tpu.memory_space<vmem>>, vector<16xf32>,
      %swap3A_234 = arith.index_cast %div3A_198 : i32 to index
      %swap3A_235 = arith.index_cast %rem3A_199 : i32 to index
      %swap3A_236 = arith.constant 112 : index
      %swap3A_237 = tpu.vector_load %arg9[%swap3A_234, %swap3A_235, %swap3A_236] {strides = array<i32>} : memref<8x8x128xf32, #tpu.memory_space<vmem>>, vector<16xf32>,
      tpu.vector_store %arg9[%swap3A_234, %swap3A_235, %swap3A_236], %gather3A_206 {strides = array<i32>} : memref<8x8x128xf32, #tpu.memory_space<vmem>>, vector<16xf32>,
      %scan3A_238 = arith.constant 1 : i32
      %scan3A_239 = arith.addi %scan3A_193, %scan3A_238 : i32
      %mul3A_240 = arith.constant 1 : i32
      %mul3A_241 = arith.muli %scan3A_239, %mul3A_240 : i32
      %add3A_242 = arith.constant 0 : i32
      %add3A_243 = arith.addi %add3A_242, %mul3A_241 : i32
      %broadcast_in_dim3A_244 = vector.broadcast %add3A_243 : i32 to vector<16xi32>
      %div3A_245 = arith.constant 8 : i32
      %div3A_246 = arith.divsi %add3A_243, %div3A_245 : i32
      %rem3A_247 = arith.constant 8 : i32
      %rem3A_248 = arith.remsi %add3A_243, %rem3A_247 : i32
      %gather3A_249 = tpu.vector_load_idx %arg7[%add3A_5, %broadcast_in_dim3A_244] : memref<128x64xf32, #tpu.memory_space<vmem>>[vector<16xi32>, vector<16xi32>], vector<16xf32>,
      %gather3A_250 = tpu.vector_load_idx %arg7[%add3A_8, %broadcast_in_dim3A_244] : memref<128x64xf32, #tpu.memory_space<vmem>>[vector<16xi32>, vector<16xi32>], vector<16xf32>,
      %gather3A_251 = tpu.vector_load_idx %arg7[%add3A_11, %broadcast_in_dim3A_244] : memref<128x64xf32, #tpu.memory_space<vmem>>[vector<16xi32>, vector<16xi32>], vector<16xf32>,
      %gather3A_252 = tpu.vector_load_idx %arg7[%add3A_14, %broadcast_in_dim3A_244] : memref<128x64xf32, #tpu.memory_space<vmem>>[vector<16xi32>, vector<16xi32>], vector<16xf32>,
      %gather3A_253 = tpu.vector_load_idx %arg7[%add3A_17, %broadcast_in_dim3A_244] : memref<128x64xf32, #tpu.memory_space<vmem>>[vector<16xi32>, vector<16xi32>], vector<16xf32>,
      %gather3A_254 = tpu.vector_load_idx %arg7[%add3A_20, %broadcast_in_dim3A_244] : memref<128x64xf32, #tpu.memory_space<vmem>>[vector<16xi32>, vector<16xi32>], vector<16xf32>,
      %gather3A_255 = tpu.vector_load_idx %arg7[%add3A_23, %broadcast_in_dim3A_244] : memref<128x64xf32, #tpu.memory_space<vmem>>[vector<16xi32>, vector<16xi32>], vector<16xf32>,
      %gather3A_256 = tpu.vector_load_idx %arg7[%add3A_26, %broadcast_in_dim3A_244] : memref<128x64xf32, #tpu.memory_space<vmem>>[vector<16xi32>, vector<16xi32>], vector<16xf32>,
      %swap3A_257 = arith.index_cast %div3A_246 : i32 to index
      %swap3A_258 = arith.index_cast %rem3A_248 : i32 to index
      %swap3A_259 = arith.constant 0 : index
      %swap3A_260 = tpu.vector_load %arg9[%swap3A_257, %swap3A_258, %swap3A_259] {strides = array<i32>} : memref<8x8x128xf32, #tpu.memory_space<vmem>>, vector<16xf32>,
      tpu.vector_store %arg9[%swap3A_257, %swap3A_258, %swap3A_259], %gather3A_249 {strides = array<i32>} : memref<8x8x128xf32, #tpu.memory_space<vmem>>, vector<16xf32>,
      %swap3A_261 = arith.index_cast %div3A_246 : i32 to index
      %swap3A_262 = arith.index_cast %rem3A_248 : i32 to index
      %swap3A_263 = arith.constant 16 : index
      %swap3A_264 = tpu.vector_load %arg9[%swap3A_261, %swap3A_262, %swap3A_263] {strides = array<i32>} : memref<8x8x128xf32, #tpu.memory_space<vmem>>, vector<16xf32>,
      tpu.vector_store %arg9[%swap3A_261, %swap3A_262, %swap3A_263], %gather3A_250 {strides = array<i32>} : memref<8x8x128xf32, #tpu.memory_space<vmem>>, vector<16xf32>,
      %swap3A_265 = arith.index_cast %div3A_246 : i32 to index
      %swap3A_266 = arith.index_cast %rem3A_248 : i32 to index
      %swap3A_267 = arith.constant 32 : index
      %swap3A_268 = tpu.vector_load %arg9[%swap3A_265, %swap3A_266, %swap3A_267] {strides = array<i32>} : memref<8x8x128xf32, #tpu.memory_space<vmem>>, vector<16xf32>,
      tpu.vector_store %arg9[%swap3A_265, %swap3A_266, %swap3A_267], %gather3A_251 {strides = array<i32>} : memref<8x8x128xf32, #tpu.memory_space<vmem>>, vector<16xf32>,
      %swap3A_269 = arith.index_cast %div3A_246 : i32 to index
      %swap3A_270 = arith.index_cast %rem3A_248 : i32 to index
      %swap3A_271 = arith.constant 48 : index
      %swap3A_272 = tpu.vector_load %arg9[%swap3A_269, %swap3A_270, %swap3A_271] {strides = array<i32>} : memref<8x8x128xf32, #tpu.memory_space<vmem>>, vector<16xf32>,
      tpu.vector_store %arg9[%swap3A_269, %swap3A_270, %swap3A_271], %gather3A_252 {strides = array<i32>} : memref<8x8x128xf32, #tpu.memory_space<vmem>>, vector<16xf32>,
      %swap3A_273 = arith.index_cast %div3A_246 : i32 to index
      %swap3A_274 = arith.index_cast %rem3A_248 : i32 to index
      %swap3A_275 = arith.constant 64 : index
      %swap3A_276 = tpu.vector_load %arg9[%swap3A_273, %swap3A_274, %swap3A_275] {strides = array<i32>} : memref<8x8x128xf32, #tpu.memory_space<vmem>>, vector<16xf32>,
      tpu.vector_store %arg9[%swap3A_273, %swap3A_274, %swap3A_275], %gather3A_253 {strides = array<i32>} : memref<8x8x128xf32, #tpu.memory_space<vmem>>, vector<16xf32>,
      %swap3A_277 = arith.index_cast %div3A_246 : i32 to index
      %swap3A_278 = arith.index_cast %rem3A_248 : i32 to index
      %swap3A_279 = arith.constant 80 : index
      %swap3A_280 = tpu.vector_load %arg9[%swap3A_277, %swap3A_278, %swap3A_279] {strides = array<i32>} : memref<8x8x128xf32, #tpu.memory_space<vmem>>, vector<16xf32>,
      tpu.vector_store %arg9[%swap3A_277, %swap3A_278, %swap3A_279], %gather3A_254 {strides = array<i32>} : memref<8x8x128xf32, #tpu.memory_space<vmem>>, vector<16xf32>,
      %swap3A_281 = arith.index_cast %div3A_246 : i32 to index
      %swap3A_282 = arith.index_cast %rem3A_248 : i32 to index
      %swap3A_283 = arith.constant 96 : index
      %swap3A_284 = tpu.vector_load %arg9[%swap3A_281, %swap3A_282, %swap3A_283] {strides = array<i32>} : memref<8x8x128xf32, #tpu.memory_space<vmem>>, vector<16xf32>,
      tpu.vector_store %arg9[%swap3A_281, %swap3A_282, %swap3A_283], %gather3A_255 {strides = array<i32>} : memref<8x8x128xf32, #tpu.memory_space<vmem>>, vector<16xf32>,
      %swap3A_285 = arith.index_cast %div3A_246 : i32 to index
      %swap3A_286 = arith.index_cast %rem3A_248 : i32 to index
      %swap3A_287 = arith.constant 112 : index
      %swap3A_288 = tpu.vector_load %arg9[%swap3A_285, %swap3A_286, %swap3A_287] {strides = array<i32>} : memref<8x8x128xf32, #tpu.memory_space<vmem>>, vector<16xf32>,
      tpu.vector_store %arg9[%swap3A_285, %swap3A_286, %swap3A_287], %gather3A_256 {strides = array<i32>} : memref<8x8x128xf32, #tpu.memory_space<vmem>>, vector<16xf32>,
    }
    %scan3A_79 = arith.constant 64 : i32
    %dma_start3A_80 = arith.constant 1 : i32
    %dma_start3A_81 = arith.constant 0 : i32
    %dma_start3A_82 = arith.constant 0 : i32
    %dma_start3A_83 = arith.constant 0 : i32
    %dma_start3A_84 = tpu.memref_slice %arg4[%dma_start3A_80, %dma_start3A_81, %add3A, %dma_start3A_82, %dma_start3A_83] : memref<200x8x32x8x128xf32, #tpu.memory_space<hbm>> -> memref<1x8x1x8x128xf32, #tpu.memory_space<hbm>>
    %dma_start3A_85 = tpu.memref_squeeze %dma_start3A_84 : memref<1x8x1x8x128xf32, #tpu.memory_space<hbm>> -> memref<8x8x128xf32, #tpu.memory_space<hbm>>
    %dma_start3A_86 = arith.constant 0 : i32
    %dma_start3A_87 = arith.constant 0 : i32
    %dma_start3A_88 = arith.constant 0 : i32
    %dma_start3A_89 = tpu.memref_slice %arg4[%dma_start3A_80, %dma_start3A_86, %add3A, %dma_start3A_87, %dma_start3A_88] : memref<200x8x32x8x128xf32, #tpu.memory_space<hbm>> -> memref<1x8x1x8x128xf32, #tpu.memory_space<hbm>>
    %dma_start3A_90 = tpu.memref_squeeze %dma_start3A_89 : memref<1x8x1x8x128xf32, #tpu.memory_space<hbm>> -> memref<8x8x128xf32, #tpu.memory_space<hbm>>
    tpu.enqueue_dma source(%arg9 : memref<8x8x128xf32, #tpu.memory_space<vmem>>) target(%dma_start3A_90 : memref<8x8x128xf32, #tpu.memory_space<hbm>>) target_semaphore(%arg13 : memref<!tpu.dma_semaphore, #tpu.memory_space<semaphore_mem>>)
    %dma_start3A_91 = arith.constant 3 : i32
    %dma_start3A_92 = arith.constant 0 : i32
    %dma_start3A_93 = tpu.memref_slice %arg5[%dma_start3A_91, %dma_start3A_92] : memref<200x128xi32, #tpu.memory_space<vmem>> -> memref<1x128xi32, #tpu.memory_space<vmem>>
    %dma_start3A_94 = tpu.memref_squeeze %dma_start3A_93 : memref<1x128xi32, #tpu.memory_space<vmem>> -> memref<128xi32, #tpu.memory_space<vmem>>
    %dma_start3A_95 = arith.constant 0 : i32
    %dma_start3A_96 = arith.constant 0 : i32
    %dma_start3A_97 = tpu.memref_slice %arg2[%dma_start3A_95, %dma_start3A_96] : memref<16658x64xf32, #tpu.memory_space<hbm>> -> memref<16658x64xf32, #tpu.memory_space<hbm>>
    tpu.enqueue_indirect_dma source(%dma_start3A_97 : memref<16658x64xf32, #tpu.memory_space<hbm>>) target(%arg7 : memref<128x64xf32, #tpu.memory_space<vmem>>) offsets(%dma_start3A_94 : memref<128xi32, #tpu.memory_space<vmem>>) semaphore(%arg11 : memref<!tpu.dma_semaphore, #tpu.memory_space<semaphore_mem>>)
    %scan3A_98 = arith.constant 0 : i32
    %scan3A_99 = arith.constant 98 : i32
    %scan3A_100 = arith.addi %scan3A_98, %scan3A_99 : i32
    %scan3A_101 = arith.constant 1 : i32
    scf.for %scan3A_193 = %scan3A_98 to %scan3A_100 step %scan3A_101  : i32 {
      %mul3A_194 = arith.constant 2 : i32
      %mul3A_195 = arith.muli %scan3A_193, %mul3A_194 : i32
      %add3A_196 = arith.constant 2 : i32
      %add3A_197 = arith.addi %add3A_196, %mul3A_195 : i32
      %add3A_198 = arith.constant 0 : i32
      %add3A_199 = arith.addi %add3A_197, %add3A_198 : i32
      %dma_wait3A_200 = arith.constant 0 : i32
      %dma_wait3A_201 = arith.constant 0 : i32
      %dma_wait3A_202 = arith.constant 0 : i32
      %dma_wait3A_203 = tpu.memref_slice %arg4[%add3A_199, %dma_wait3A_200, %add3A, %dma_wait3A_201, %dma_wait3A_202] : memref<200x8x32x8x128xf32, #tpu.memory_space<hbm>> -> memref<1x8x1x8x128xf32, #tpu.memory_space<hbm>>
      %dma_wait3A_204 = tpu.memref_squeeze %dma_wait3A_203 : memref<1x8x1x8x128xf32, #tpu.memory_space<hbm>> -> memref<8x8x128xf32, #tpu.memory_space<hbm>>
      %dma_wait3A_205 = arith.constant 0 : i32
      %dma_wait3A_206 = arith.constant 0 : i32
      %dma_wait3A_207 = arith.constant 0 : i32
      %dma_wait3A_208 = tpu.memref_slice %arg4[%add3A_199, %dma_wait3A_205, %add3A, %dma_wait3A_206, %dma_wait3A_207] : memref<200x8x32x8x128xf32, #tpu.memory_space<hbm>> -> memref<1x8x1x8x128xf32, #tpu.memory_space<hbm>>
      %dma_wait3A_209 = tpu.memref_squeeze %dma_wait3A_208 : memref<1x8x1x8x128xf32, #tpu.memory_space<hbm>> -> memref<8x8x128xf32, #tpu.memory_space<hbm>>
      tpu.wait_dma2 semaphore(%arg12 : memref<!tpu.dma_semaphore, #tpu.memory_space<semaphore_mem>>) src(%arg8 : memref<8x8x128xf32, #tpu.memory_space<vmem>>) dst(%dma_wait3A_209 : memref<8x8x128xf32, #tpu.memory_space<hbm>>)
      %dma_wait3A_210 = arith.constant 0 : i32
      %dma_wait3A_211 = tpu.memref_slice %arg5[%add3A_199, %dma_wait3A_210] : memref<200x128xi32, #tpu.memory_space<vmem>> -> memref<1x128xi32, #tpu.memory_space<vmem>>
      %dma_wait3A_212 = tpu.memref_squeeze %dma_wait3A_211 : memref<1x128xi32, #tpu.memory_space<vmem>> -> memref<128xi32, #tpu.memory_space<vmem>>
      %dma_wait3A_213 = arith.constant 0 : i32
      %dma_wait3A_214 = arith.constant 0 : i32
      %dma_wait3A_215 = tpu.memref_slice %arg2[%dma_wait3A_213, %dma_wait3A_214] : memref<16658x64xf32, #tpu.memory_space<hbm>> -> memref<16658x64xf32, #tpu.memory_space<hbm>>
      tpu.wait_indirect_dma semaphore(%arg10 : memref<!tpu.dma_semaphore, #tpu.memory_space<semaphore_mem>>) src(%dma_wait3A_215 : memref<16658x64xf32, #tpu.memory_space<hbm>>) dst(%arg6 : memref<128x64xf32, #tpu.memory_space<vmem>>)
      %scan3A_216 = arith.constant 0 : i32
      %scan3A_217 = arith.constant 64 : i32
      %scan3A_218 = arith.addi %scan3A_216, %scan3A_217 : i32
      %scan3A_219 = arith.constant 2 : i32
      scf.for %scan3A_280 = %scan3A_216 to %scan3A_218 step %scan3A_219  : i32 {
        %mul3A_281 = arith.constant 1 : i32
        %mul3A_282 = arith.muli %scan3A_280, %mul3A_281 : i32
        %add3A_283 = arith.constant 0 : i32
        %add3A_284 = arith.addi %add3A_283, %mul3A_282 : i32
        %broadcast_in_dim3A = vector.broadcast %add3A_284 : i32 to vector<16xi32>
        %div3A = arith.constant 8 : i32
        %div3A_285 = arith.divsi %add3A_284, %div3A : i32
        %rem3A = arith.constant 8 : i32
        %rem3A_286 = arith.remsi %add3A_284, %rem3A : i32
        %gather3A = tpu.vector_load_idx %arg6[%add3A_5, %broadcast_in_dim3A] : memref<128x64xf32, #tpu.memory_space<vmem>>[vector<16xi32>, vector<16xi32>], vector<16xf32>,
        %gather3A_287 = tpu.vector_load_idx %arg6[%add3A_8, %broadcast_in_dim3A] : memref<128x64xf32, #tpu.memory_space<vmem>>[vector<16xi32>, vector<16xi32>], vector<16xf32>,
        %gather3A_288 = tpu.vector_load_idx %arg6[%add3A_11, %broadcast_in_dim3A] : memref<128x64xf32, #tpu.memory_space<vmem>>[vector<16xi32>, vector<16xi32>], vector<16xf32>,
        %gather3A_289 = tpu.vector_load_idx %arg6[%add3A_14, %broadcast_in_dim3A] : memref<128x64xf32, #tpu.memory_space<vmem>>[vector<16xi32>, vector<16xi32>], vector<16xf32>,
        %gather3A_290 = tpu.vector_load_idx %arg6[%add3A_17, %broadcast_in_dim3A] : memref<128x64xf32, #tpu.memory_space<vmem>>[vector<16xi32>, vector<16xi32>], vector<16xf32>,
        %gather3A_291 = tpu.vector_load_idx %arg6[%add3A_20, %broadcast_in_dim3A] : memref<128x64xf32, #tpu.memory_space<vmem>>[vector<16xi32>, vector<16xi32>], vector<16xf32>,
        %gather3A_292 = tpu.vector_load_idx %arg6[%add3A_23, %broadcast_in_dim3A] : memref<128x64xf32, #tpu.memory_space<vmem>>[vector<16xi32>, vector<16xi32>], vector<16xf32>,
        %gather3A_293 = tpu.vector_load_idx %arg6[%add3A_26, %broadcast_in_dim3A] : memref<128x64xf32, #tpu.memory_space<vmem>>[vector<16xi32>, vector<16xi32>], vector<16xf32>,
        %swap3A = arith.index_cast %div3A_285 : i32 to index
        %swap3A_294 = arith.index_cast %rem3A_286 : i32 to index
        %swap3A_295 = arith.constant 0 : index
        %swap3A_296 = tpu.vector_load %arg8[%swap3A, %swap3A_294, %swap3A_295] {strides = array<i32>} : memref<8x8x128xf32, #tpu.memory_space<vmem>>, vector<16xf32>,
        tpu.vector_store %arg8[%swap3A, %swap3A_294, %swap3A_295], %gather3A {strides = array<i32>} : memref<8x8x128xf32, #tpu.memory_space<vmem>>, vector<16xf32>,
        %swap3A_297 = arith.index_cast %div3A_285 : i32 to index
        %swap3A_298 = arith.index_cast %rem3A_286 : i32 to index
        %swap3A_299 = arith.constant 16 : index
        %swap3A_300 = tpu.vector_load %arg8[%swap3A_297, %swap3A_298, %swap3A_299] {strides = array<i32>} : memref<8x8x128xf32, #tpu.memory_space<vmem>>, vector<16xf32>,
        tpu.vector_store %arg8[%swap3A_297, %swap3A_298, %swap3A_299], %gather3A_287 {strides = array<i32>} : memref<8x8x128xf32, #tpu.memory_space<vmem>>, vector<16xf32>,
        %swap3A_301 = arith.index_cast %div3A_285 : i32 to index
        %swap3A_302 = arith.index_cast %rem3A_286 : i32 to index
        %swap3A_303 = arith.constant 32 : index
        %swap3A_304 = tpu.vector_load %arg8[%swap3A_301, %swap3A_302, %swap3A_303] {strides = array<i32>} : memref<8x8x128xf32, #tpu.memory_space<vmem>>, vector<16xf32>,
        tpu.vector_store %arg8[%swap3A_301, %swap3A_302, %swap3A_303], %gather3A_288 {strides = array<i32>} : memref<8x8x128xf32, #tpu.memory_space<vmem>>, vector<16xf32>,
        %swap3A_305 = arith.index_cast %div3A_285 : i32 to index
        %swap3A_306 = arith.index_cast %rem3A_286 : i32 to index
        %swap3A_307 = arith.constant 48 : index
        %swap3A_308 = tpu.vector_load %arg8[%swap3A_305, %swap3A_306, %swap3A_307] {strides = array<i32>} : memref<8x8x128xf32, #tpu.memory_space<vmem>>, vector<16xf32>,
        tpu.vector_store %arg8[%swap3A_305, %swap3A_306, %swap3A_307], %gather3A_289 {strides = array<i32>} : memref<8x8x128xf32, #tpu.memory_space<vmem>>, vector<16xf32>,
        %swap3A_309 = arith.index_cast %div3A_285 : i32 to index
        %swap3A_310 = arith.index_cast %rem3A_286 : i32 to index
        %swap3A_311 = arith.constant 64 : index
        %swap3A_312 = tpu.vector_load %arg8[%swap3A_309, %swap3A_310, %swap3A_311] {strides = array<i32>} : memref<8x8x128xf32, #tpu.memory_space<vmem>>, vector<16xf32>,
        tpu.vector_store %arg8[%swap3A_309, %swap3A_310, %swap3A_311], %gather3A_290 {strides = array<i32>} : memref<8x8x128xf32, #tpu.memory_space<vmem>>, vector<16xf32>,
        %swap3A_313 = arith.index_cast %div3A_285 : i32 to index
        %swap3A_314 = arith.index_cast %rem3A_286 : i32 to index
        %swap3A_315 = arith.constant 80 : index
        %swap3A_316 = tpu.vector_load %arg8[%swap3A_313, %swap3A_314, %swap3A_315] {strides = array<i32>} : memref<8x8x128xf32, #tpu.memory_space<vmem>>, vector<16xf32>,
        tpu.vector_store %arg8[%swap3A_313, %swap3A_314, %swap3A_315], %gather3A_291 {strides = array<i32>} : memref<8x8x128xf32, #tpu.memory_space<vmem>>, vector<16xf32>,
        %swap3A_317 = arith.index_cast %div3A_285 : i32 to index
        %swap3A_318 = arith.index_cast %rem3A_286 : i32 to index
        %swap3A_319 = arith.constant 96 : index
        %swap3A_320 = tpu.vector_load %arg8[%swap3A_317, %swap3A_318, %swap3A_319] {strides = array<i32>} : memref<8x8x128xf32, #tpu.memory_space<vmem>>, vector<16xf32>,
        tpu.vector_store %arg8[%swap3A_317, %swap3A_318, %swap3A_319], %gather3A_292 {strides = array<i32>} : memref<8x8x128xf32, #tpu.memory_space<vmem>>, vector<16xf32>,
        %swap3A_321 = arith.index_cast %div3A_285 : i32 to index
        %swap3A_322 = arith.index_cast %rem3A_286 : i32 to index
        %swap3A_323 = arith.constant 112 : index
        %swap3A_324 = tpu.vector_load %arg8[%swap3A_321, %swap3A_322, %swap3A_323] {strides = array<i32>} : memref<8x8x128xf32, #tpu.memory_space<vmem>>, vector<16xf32>,
        tpu.vector_store %arg8[%swap3A_321, %swap3A_322, %swap3A_323], %gather3A_293 {strides = array<i32>} : memref<8x8x128xf32, #tpu.memory_space<vmem>>, vector<16xf32>,
        %scan3A_325 = arith.constant 1 : i32
        %scan3A_326 = arith.addi %scan3A_280, %scan3A_325 : i32
        %mul3A_327 = arith.constant 1 : i32
        %mul3A_328 = arith.muli %scan3A_326, %mul3A_327 : i32
        %add3A_329 = arith.constant 0 : i32
        %add3A_330 = arith.addi %add3A_329, %mul3A_328 : i32
        %broadcast_in_dim3A_331 = vector.broadcast %add3A_330 : i32 to vector<16xi32>
        %div3A_332 = arith.constant 8 : i32
        %div3A_333 = arith.divsi %add3A_330, %div3A_332 : i32
        %rem3A_334 = arith.constant 8 : i32
        %rem3A_335 = arith.remsi %add3A_330, %rem3A_334 : i32
        %gather3A_336 = tpu.vector_load_idx %arg6[%add3A_5, %broadcast_in_dim3A_331] : memref<128x64xf32, #tpu.memory_space<vmem>>[vector<16xi32>, vector<16xi32>], vector<16xf32>,
        %gather3A_337 = tpu.vector_load_idx %arg6[%add3A_8, %broadcast_in_dim3A_331] : memref<128x64xf32, #tpu.memory_space<vmem>>[vector<16xi32>, vector<16xi32>], vector<16xf32>,
        %gather3A_338 = tpu.vector_load_idx %arg6[%add3A_11, %broadcast_in_dim3A_331] : memref<128x64xf32, #tpu.memory_space<vmem>>[vector<16xi32>, vector<16xi32>], vector<16xf32>,
        %gather3A_339 = tpu.vector_load_idx %arg6[%add3A_14, %broadcast_in_dim3A_331] : memref<128x64xf32, #tpu.memory_space<vmem>>[vector<16xi32>, vector<16xi32>], vector<16xf32>,
        %gather3A_340 = tpu.vector_load_idx %arg6[%add3A_17, %broadcast_in_dim3A_331] : memref<128x64xf32, #tpu.memory_space<vmem>>[vector<16xi32>, vector<16xi32>], vector<16xf32>,
        %gather3A_341 = tpu.vector_load_idx %arg6[%add3A_20, %broadcast_in_dim3A_331] : memref<128x64xf32, #tpu.memory_space<vmem>>[vector<16xi32>, vector<16xi32>], vector<16xf32>,
        %gather3A_342 = tpu.vector_load_idx %arg6[%add3A_23, %broadcast_in_dim3A_331] : memref<128x64xf32, #tpu.memory_space<vmem>>[vector<16xi32>, vector<16xi32>], vector<16xf32>,
        %gather3A_343 = tpu.vector_load_idx %arg6[%add3A_26, %broadcast_in_dim3A_331] : memref<128x64xf32, #tpu.memory_space<vmem>>[vector<16xi32>, vector<16xi32>], vector<16xf32>,
        %swap3A_344 = arith.index_cast %div3A_333 : i32 to index
        %swap3A_345 = arith.index_cast %rem3A_335 : i32 to index
        %swap3A_346 = arith.constant 0 : index
        %swap3A_347 = tpu.vector_load %arg8[%swap3A_344, %swap3A_345, %swap3A_346] {strides = array<i32>} : memref<8x8x128xf32, #tpu.memory_space<vmem>>, vector<16xf32>,
        tpu.vector_store %arg8[%swap3A_344, %swap3A_345, %swap3A_346], %gather3A_336 {strides = array<i32>} : memref<8x8x128xf32, #tpu.memory_space<vmem>>, vector<16xf32>,
        %swap3A_348 = arith.index_cast %div3A_333 : i32 to index
        %swap3A_349 = arith.index_cast %rem3A_335 : i32 to index
        %swap3A_350 = arith.constant 16 : index
        %swap3A_351 = tpu.vector_load %arg8[%swap3A_348, %swap3A_349, %swap3A_350] {strides = array<i32>} : memref<8x8x128xf32, #tpu.memory_space<vmem>>, vector<16xf32>,
        tpu.vector_store %arg8[%swap3A_348, %swap3A_349, %swap3A_350], %gather3A_337 {strides = array<i32>} : memref<8x8x128xf32, #tpu.memory_space<vmem>>, vector<16xf32>,
        %swap3A_352 = arith.index_cast %div3A_333 : i32 to index
        %swap3A_353 = arith.index_cast %rem3A_335 : i32 to index
        %swap3A_354 = arith.constant 32 : index
        %swap3A_355 = tpu.vector_load %arg8[%swap3A_352, %swap3A_353, %swap3A_354] {strides = array<i32>} : memref<8x8x128xf32, #tpu.memory_space<vmem>>, vector<16xf32>,
        tpu.vector_store %arg8[%swap3A_352, %swap3A_353, %swap3A_354], %gather3A_338 {strides = array<i32>} : memref<8x8x128xf32, #tpu.memory_space<vmem>>, vector<16xf32>,
        %swap3A_356 = arith.index_cast %div3A_333 : i32 to index
        %swap3A_357 = arith.index_cast %rem3A_335 : i32 to index
        %swap3A_358 = arith.constant 48 : index
        %swap3A_359 = tpu.vector_load %arg8[%swap3A_356, %swap3A_357, %swap3A_358] {strides = array<i32>} : memref<8x8x128xf32, #tpu.memory_space<vmem>>, vector<16xf32>,
        tpu.vector_store %arg8[%swap3A_356, %swap3A_357, %swap3A_358], %gather3A_339 {strides = array<i32>} : memref<8x8x128xf32, #tpu.memory_space<vmem>>, vector<16xf32>,
        %swap3A_360 = arith.index_cast %div3A_333 : i32 to index
        %swap3A_361 = arith.index_cast %rem3A_335 : i32 to index
        %swap3A_362 = arith.constant 64 : index
        %swap3A_363 = tpu.vector_load %arg8[%swap3A_360, %swap3A_361, %swap3A_362] {strides = array<i32>} : memref<8x8x128xf32, #tpu.memory_space<vmem>>, vector<16xf32>,
        tpu.vector_store %arg8[%swap3A_360, %swap3A_361, %swap3A_362], %gather3A_340 {strides = array<i32>} : memref<8x8x128xf32, #tpu.memory_space<vmem>>, vector<16xf32>,
        %swap3A_364 = arith.index_cast %div3A_333 : i32 to index
        %swap3A_365 = arith.index_cast %rem3A_335 : i32 to index
        %swap3A_366 = arith.constant 80 : index
        %swap3A_367 = tpu.vector_load %arg8[%swap3A_364, %swap3A_365, %swap3A_366] {strides = array<i32>} : memref<8x8x128xf32, #tpu.memory_space<vmem>>, vector<16xf32>,
        tpu.vector_store %arg8[%swap3A_364, %swap3A_365, %swap3A_366], %gather3A_341 {strides = array<i32>} : memref<8x8x128xf32, #tpu.memory_space<vmem>>, vector<16xf32>,
        %swap3A_368 = arith.index_cast %div3A_333 : i32 to index
        %swap3A_369 = arith.index_cast %rem3A_335 : i32 to index
        %swap3A_370 = arith.constant 96 : index
        %swap3A_371 = tpu.vector_load %arg8[%swap3A_368, %swap3A_369, %swap3A_370] {strides = array<i32>} : memref<8x8x128xf32, #tpu.memory_space<vmem>>, vector<16xf32>,
        tpu.vector_store %arg8[%swap3A_368, %swap3A_369, %swap3A_370], %gather3A_342 {strides = array<i32>} : memref<8x8x128xf32, #tpu.memory_space<vmem>>, vector<16xf32>,
        %swap3A_372 = arith.index_cast %div3A_333 : i32 to index
        %swap3A_373 = arith.index_cast %rem3A_335 : i32 to index
        %swap3A_374 = arith.constant 112 : index
        %swap3A_375 = tpu.vector_load %arg8[%swap3A_372, %swap3A_373, %swap3A_374] {strides = array<i32>} : memref<8x8x128xf32, #tpu.memory_space<vmem>>, vector<16xf32>,
        tpu.vector_store %arg8[%swap3A_372, %swap3A_373, %swap3A_374], %gather3A_343 {strides = array<i32>} : memref<8x8x128xf32, #tpu.memory_space<vmem>>, vector<16xf32>,
      }
      %scan3A_220 = arith.constant 64 : i32
      %dma_start3A_221 = arith.constant 0 : i32
      %dma_start3A_222 = arith.constant 0 : i32
      %dma_start3A_223 = arith.constant 0 : i32
      %dma_start3A_224 = tpu.memref_slice %arg4[%add3A_199, %dma_start3A_221, %add3A, %dma_start3A_222, %dma_start3A_223] : memref<200x8x32x8x128xf32, #tpu.memory_space<hbm>> -> memref<1x8x1x8x128xf32, #tpu.memory_space<hbm>>
      %dma_start3A_225 = tpu.memref_squeeze %dma_start3A_224 : memref<1x8x1x8x128xf32, #tpu.memory_space<hbm>> -> memref<8x8x128xf32, #tpu.memory_space<hbm>>
      %dma_start3A_226 = arith.constant 0 : i32
      %dma_start3A_227 = arith.constant 0 : i32
      %dma_start3A_228 = arith.constant 0 : i32
      %dma_start3A_229 = tpu.memref_slice %arg4[%add3A_199, %dma_start3A_226, %add3A, %dma_start3A_227, %dma_start3A_228] : memref<200x8x32x8x128xf32, #tpu.memory_space<hbm>> -> memref<1x8x1x8x128xf32, #tpu.memory_space<hbm>>
      %dma_start3A_230 = tpu.memref_squeeze %dma_start3A_229 : memref<1x8x1x8x128xf32, #tpu.memory_space<hbm>> -> memref<8x8x128xf32, #tpu.memory_space<hbm>>
      tpu.enqueue_dma source(%arg8 : memref<8x8x128xf32, #tpu.memory_space<vmem>>) target(%dma_start3A_230 : memref<8x8x128xf32, #tpu.memory_space<hbm>>) target_semaphore(%arg12 : memref<!tpu.dma_semaphore, #tpu.memory_space<semaphore_mem>>)
      %add3A_231 = arith.constant 2 : i32
      %add3A_232 = arith.addi %add3A_199, %add3A_231 : i32
      %dma_start3A_233 = arith.constant 0 : i32
      %dma_start3A_234 = tpu.memref_slice %arg5[%add3A_232, %dma_start3A_233] : memref<200x128xi32, #tpu.memory_space<vmem>> -> memref<1x128xi32, #tpu.memory_space<vmem>>
      %dma_start3A_235 = tpu.memref_squeeze %dma_start3A_234 : memref<1x128xi32, #tpu.memory_space<vmem>> -> memref<128xi32, #tpu.memory_space<vmem>>
      %dma_start3A_236 = arith.constant 0 : i32
      %dma_start3A_237 = arith.constant 0 : i32
      %dma_start3A_238 = tpu.memref_slice %arg2[%dma_start3A_236, %dma_start3A_237] : memref<16658x64xf32, #tpu.memory_space<hbm>> -> memref<16658x64xf32, #tpu.memory_space<hbm>>
      tpu.enqueue_indirect_dma source(%dma_start3A_238 : memref<16658x64xf32, #tpu.memory_space<hbm>>) target(%arg6 : memref<128x64xf32, #tpu.memory_space<vmem>>) offsets(%dma_start3A_235 : memref<128xi32, #tpu.memory_space<vmem>>) semaphore(%arg10 : memref<!tpu.dma_semaphore, #tpu.memory_space<semaphore_mem>>)
      %add3A_239 = arith.constant 1 : i32
      %add3A_240 = arith.addi %add3A_197, %add3A_239 : i32
      %dma_wait3A_241 = arith.constant 0 : i32
      %dma_wait3A_242 = arith.constant 0 : i32
      %dma_wait3A_243 = arith.constant 0 : i32
      %dma_wait3A_244 = tpu.memref_slice %arg4[%add3A_240, %dma_wait3A_241, %add3A, %dma_wait3A_242, %dma_wait3A_243] : memref<200x8x32x8x128xf32, #tpu.memory_space<hbm>> -> memref<1x8x1x8x128xf32, #tpu.memory_space<hbm>>
      %dma_wait3A_245 = tpu.memref_squeeze %dma_wait3A_244 : memref<1x8x1x8x128xf32, #tpu.memory_space<hbm>> -> memref<8x8x128xf32, #tpu.memory_space<hbm>>
      %dma_wait3A_246 = arith.constant 0 : i32
      %dma_wait3A_247 = arith.constant 0 : i32
      %dma_wait3A_248 = arith.constant 0 : i32
      %dma_wait3A_249 = tpu.memref_slice %arg4[%add3A_240, %dma_wait3A_246, %add3A, %dma_wait3A_247, %dma_wait3A_248] : memref<200x8x32x8x128xf32, #tpu.memory_space<hbm>> -> memref<1x8x1x8x128xf32, #tpu.memory_space<hbm>>
      %dma_wait3A_250 = tpu.memref_squeeze %dma_wait3A_249 : memref<1x8x1x8x128xf32, #tpu.memory_space<hbm>> -> memref<8x8x128xf32, #tpu.memory_space<hbm>>
      tpu.wait_dma2 semaphore(%arg13 : memref<!tpu.dma_semaphore, #tpu.memory_space<semaphore_mem>>) src(%arg9 : memref<8x8x128xf32, #tpu.memory_space<vmem>>) dst(%dma_wait3A_250 : memref<8x8x128xf32, #tpu.memory_space<hbm>>)
      %dma_wait3A_251 = arith.constant 0 : i32
      %dma_wait3A_252 = tpu.memref_slice %arg5[%add3A_240, %dma_wait3A_251] : memref<200x128xi32, #tpu.memory_space<vmem>> -> memref<1x128xi32, #tpu.memory_space<vmem>>
      %dma_wait3A_253 = tpu.memref_squeeze %dma_wait3A_252 : memref<1x128xi32, #tpu.memory_space<vmem>> -> memref<128xi32, #tpu.memory_space<vmem>>
      %dma_wait3A_254 = arith.constant 0 : i32
      %dma_wait3A_255 = arith.constant 0 : i32
      %dma_wait3A_256 = tpu.memref_slice %arg2[%dma_wait3A_254, %dma_wait3A_255] : memref<16658x64xf32, #tpu.memory_space<hbm>> -> memref<16658x64xf32, #tpu.memory_space<hbm>>
      tpu.wait_indirect_dma semaphore(%arg11 : memref<!tpu.dma_semaphore, #tpu.memory_space<semaphore_mem>>) src(%dma_wait3A_256 : memref<16658x64xf32, #tpu.memory_space<hbm>>) dst(%arg7 : memref<128x64xf32, #tpu.memory_space<vmem>>)
      %scan3A_257 = arith.constant 0 : i32
      %scan3A_258 = arith.constant 64 : i32
      %scan3A_259 = arith.addi %scan3A_257, %scan3A_258 : i32
      %scan3A_260 = arith.constant 2 : i32
      scf.for %scan3A_280 = %scan3A_257 to %scan3A_259 step %scan3A_260  : i32 {
        %mul3A_281 = arith.constant 1 : i32
        %mul3A_282 = arith.muli %scan3A_280, %mul3A_281 : i32
        %add3A_283 = arith.constant 0 : i32
        %add3A_284 = arith.addi %add3A_283, %mul3A_282 : i32
        %broadcast_in_dim3A = vector.broadcast %add3A_284 : i32 to vector<16xi32>
        %div3A = arith.constant 8 : i32
        %div3A_285 = arith.divsi %add3A_284, %div3A : i32
        %rem3A = arith.constant 8 : i32
        %rem3A_286 = arith.remsi %add3A_284, %rem3A : i32
        %gather3A = tpu.vector_load_idx %arg7[%add3A_5, %broadcast_in_dim3A] : memref<128x64xf32, #tpu.memory_space<vmem>>[vector<16xi32>, vector<16xi32>], vector<16xf32>,
        %gather3A_287 = tpu.vector_load_idx %arg7[%add3A_8, %broadcast_in_dim3A] : memref<128x64xf32, #tpu.memory_space<vmem>>[vector<16xi32>, vector<16xi32>], vector<16xf32>,
        %gather3A_288 = tpu.vector_load_idx %arg7[%add3A_11, %broadcast_in_dim3A] : memref<128x64xf32, #tpu.memory_space<vmem>>[vector<16xi32>, vector<16xi32>], vector<16xf32>,
        %gather3A_289 = tpu.vector_load_idx %arg7[%add3A_14, %broadcast_in_dim3A] : memref<128x64xf32, #tpu.memory_space<vmem>>[vector<16xi32>, vector<16xi32>], vector<16xf32>,
        %gather3A_290 = tpu.vector_load_idx %arg7[%add3A_17, %broadcast_in_dim3A] : memref<128x64xf32, #tpu.memory_space<vmem>>[vector<16xi32>, vector<16xi32>], vector<16xf32>,
        %gather3A_291 = tpu.vector_load_idx %arg7[%add3A_20, %broadcast_in_dim3A] : memref<128x64xf32, #tpu.memory_space<vmem>>[vector<16xi32>, vector<16xi32>], vector<16xf32>,
        %gather3A_292 = tpu.vector_load_idx %arg7[%add3A_23, %broadcast_in_dim3A] : memref<128x64xf32, #tpu.memory_space<vmem>>[vector<16xi32>, vector<16xi32>], vector<16xf32>,
        %gather3A_293 = tpu.vector_load_idx %arg7[%add3A_26, %broadcast_in_dim3A] : memref<128x64xf32, #tpu.memory_space<vmem>>[vector<16xi32>, vector<16xi32>], vector<16xf32>,
        %swap3A = arith.index_cast %div3A_285 : i32 to index
        %swap3A_294 = arith.index_cast %rem3A_286 : i32 to index
        %swap3A_295 = arith.constant 0 : index
        %swap3A_296 = tpu.vector_load %arg9[%swap3A, %swap3A_294, %swap3A_295] {strides = array<i32>} : memref<8x8x128xf32, #tpu.memory_space<vmem>>, vector<16xf32>,
        tpu.vector_store %arg9[%swap3A, %swap3A_294, %swap3A_295], %gather3A {strides = array<i32>} : memref<8x8x128xf32, #tpu.memory_space<vmem>>, vector<16xf32>,
        %swap3A_297 = arith.index_cast %div3A_285 : i32 to index
        %swap3A_298 = arith.index_cast %rem3A_286 : i32 to index
        %swap3A_299 = arith.constant 16 : index
        %swap3A_300 = tpu.vector_load %arg9[%swap3A_297, %swap3A_298, %swap3A_299] {strides = array<i32>} : memref<8x8x128xf32, #tpu.memory_space<vmem>>, vector<16xf32>,
        tpu.vector_store %arg9[%swap3A_297, %swap3A_298, %swap3A_299], %gather3A_287 {strides = array<i32>} : memref<8x8x128xf32, #tpu.memory_space<vmem>>, vector<16xf32>,
        %swap3A_301 = arith.index_cast %div3A_285 : i32 to index
        %swap3A_302 = arith.index_cast %rem3A_286 : i32 to index
        %swap3A_303 = arith.constant 32 : index
        %swap3A_304 = tpu.vector_load %arg9[%swap3A_301, %swap3A_302, %swap3A_303] {strides = array<i32>} : memref<8x8x128xf32, #tpu.memory_space<vmem>>, vector<16xf32>,
        tpu.vector_store %arg9[%swap3A_301, %swap3A_302, %swap3A_303], %gather3A_288 {strides = array<i32>} : memref<8x8x128xf32, #tpu.memory_space<vmem>>, vector<16xf32>,
        %swap3A_305 = arith.index_cast %div3A_285 : i32 to index
        %swap3A_306 = arith.index_cast %rem3A_286 : i32 to index
        %swap3A_307 = arith.constant 48 : index
        %swap3A_308 = tpu.vector_load %arg9[%swap3A_305, %swap3A_306, %swap3A_307] {strides = array<i32>} : memref<8x8x128xf32, #tpu.memory_space<vmem>>, vector<16xf32>,
        tpu.vector_store %arg9[%swap3A_305, %swap3A_306, %swap3A_307], %gather3A_289 {strides = array<i32>} : memref<8x8x128xf32, #tpu.memory_space<vmem>>, vector<16xf32>,
        %swap3A_309 = arith.index_cast %div3A_285 : i32 to index
        %swap3A_310 = arith.index_cast %rem3A_286 : i32 to index
        %swap3A_311 = arith.constant 64 : index
        %swap3A_312 = tpu.vector_load %arg9[%swap3A_309, %swap3A_310, %swap3A_311] {strides = array<i32>} : memref<8x8x128xf32, #tpu.memory_space<vmem>>, vector<16xf32>,
        tpu.vector_store %arg9[%swap3A_309, %swap3A_310, %swap3A_311], %gather3A_290 {strides = array<i32>} : memref<8x8x128xf32, #tpu.memory_space<vmem>>, vector<16xf32>,
        %swap3A_313 = arith.index_cast %div3A_285 : i32 to index
        %swap3A_314 = arith.index_cast %rem3A_286 : i32 to index
        %swap3A_315 = arith.constant 80 : index
        %swap3A_316 = tpu.vector_load %arg9[%swap3A_313, %swap3A_314, %swap3A_315] {strides = array<i32>} : memref<8x8x128xf32, #tpu.memory_space<vmem>>, vector<16xf32>,
        tpu.vector_store %arg9[%swap3A_313, %swap3A_314, %swap3A_315], %gather3A_291 {strides = array<i32>} : memref<8x8x128xf32, #tpu.memory_space<vmem>>, vector<16xf32>,
        %swap3A_317 = arith.index_cast %div3A_285 : i32 to index
        %swap3A_318 = arith.index_cast %rem3A_286 : i32 to index
        %swap3A_319 = arith.constant 96 : index
        %swap3A_320 = tpu.vector_load %arg9[%swap3A_317, %swap3A_318, %swap3A_319] {strides = array<i32>} : memref<8x8x128xf32, #tpu.memory_space<vmem>>, vector<16xf32>,
        tpu.vector_store %arg9[%swap3A_317, %swap3A_318, %swap3A_319], %gather3A_292 {strides = array<i32>} : memref<8x8x128xf32, #tpu.memory_space<vmem>>, vector<16xf32>,
        %swap3A_321 = arith.index_cast %div3A_285 : i32 to index
        %swap3A_322 = arith.index_cast %rem3A_286 : i32 to index
        %swap3A_323 = arith.constant 112 : index
        %swap3A_324 = tpu.vector_load %arg9[%swap3A_321, %swap3A_322, %swap3A_323] {strides = array<i32>} : memref<8x8x128xf32, #tpu.memory_space<vmem>>, vector<16xf32>,
        tpu.vector_store %arg9[%swap3A_321, %swap3A_322, %swap3A_323], %gather3A_293 {strides = array<i32>} : memref<8x8x128xf32, #tpu.memory_space<vmem>>, vector<16xf32>,
        %scan3A_325 = arith.constant 1 : i32
        %scan3A_326 = arith.addi %scan3A_280, %scan3A_325 : i32
        %mul3A_327 = arith.constant 1 : i32
        %mul3A_328 = arith.muli %scan3A_326, %mul3A_327 : i32
        %add3A_329 = arith.constant 0 : i32
        %add3A_330 = arith.addi %add3A_329, %mul3A_328 : i32
        %broadcast_in_dim3A_331 = vector.broadcast %add3A_330 : i32 to vector<16xi32>
        %div3A_332 = arith.constant 8 : i32
        %div3A_333 = arith.divsi %add3A_330, %div3A_332 : i32
        %rem3A_334 = arith.constant 8 : i32
        %rem3A_335 = arith.remsi %add3A_330, %rem3A_334 : i32
        %gather3A_336 = tpu.vector_load_idx %arg7[%add3A_5, %broadcast_in_dim3A_331] : memref<128x64xf32, #tpu.memory_space<vmem>>[vector<16xi32>, vector<16xi32>], vector<16xf32>,
        %gather3A_337 = tpu.vector_load_idx %arg7[%add3A_8, %broadcast_in_dim3A_331] : memref<128x64xf32, #tpu.memory_space<vmem>>[vector<16xi32>, vector<16xi32>], vector<16xf32>,
        %gather3A_338 = tpu.vector_load_idx %arg7[%add3A_11, %broadcast_in_dim3A_331] : memref<128x64xf32, #tpu.memory_space<vmem>>[vector<16xi32>, vector<16xi32>], vector<16xf32>,
        %gather3A_339 = tpu.vector_load_idx %arg7[%add3A_14, %broadcast_in_dim3A_331] : memref<128x64xf32, #tpu.memory_space<vmem>>[vector<16xi32>, vector<16xi32>], vector<16xf32>,
        %gather3A_340 = tpu.vector_load_idx %arg7[%add3A_17, %broadcast_in_dim3A_331] : memref<128x64xf32, #tpu.memory_space<vmem>>[vector<16xi32>, vector<16xi32>], vector<16xf32>,
        %gather3A_341 = tpu.vector_load_idx %arg7[%add3A_20, %broadcast_in_dim3A_331] : memref<128x64xf32, #tpu.memory_space<vmem>>[vector<16xi32>, vector<16xi32>], vector<16xf32>,
        %gather3A_342 = tpu.vector_load_idx %arg7[%add3A_23, %broadcast_in_dim3A_331] : memref<128x64xf32, #tpu.memory_space<vmem>>[vector<16xi32>, vector<16xi32>], vector<16xf32>,
        %gather3A_343 = tpu.vector_load_idx %arg7[%add3A_26, %broadcast_in_dim3A_331] : memref<128x64xf32, #tpu.memory_space<vmem>>[vector<16xi32>, vector<16xi32>], vector<16xf32>,
        %swap3A_344 = arith.index_cast %div3A_333 : i32 to index
        %swap3A_345 = arith.index_cast %rem3A_335 : i32 to index
        %swap3A_346 = arith.constant 0 : index
        %swap3A_347 = tpu.vector_load %arg9[%swap3A_344, %swap3A_345, %swap3A_346] {strides = array<i32>} : memref<8x8x128xf32, #tpu.memory_space<vmem>>, vector<16xf32>,
        tpu.vector_store %arg9[%swap3A_344, %swap3A_345, %swap3A_346], %gather3A_336 {strides = array<i32>} : memref<8x8x128xf32, #tpu.memory_space<vmem>>, vector<16xf32>,
        %swap3A_348 = arith.index_cast %div3A_333 : i32 to index
        %swap3A_349 = arith.index_cast %rem3A_335 : i32 to index
        %swap3A_350 = arith.constant 16 : index
        %swap3A_351 = tpu.vector_load %arg9[%swap3A_348, %swap3A_349, %swap3A_350] {strides = array<i32>} : memref<8x8x128xf32, #tpu.memory_space<vmem>>, vector<16xf32>,
        tpu.vector_store %arg9[%swap3A_348, %swap3A_349, %swap3A_350], %gather3A_337 {strides = array<i32>} : memref<8x8x128xf32, #tpu.memory_space<vmem>>, vector<16xf32>,
        %swap3A_352 = arith.index_cast %div3A_333 : i32 to index
        %swap3A_353 = arith.index_cast %rem3A_335 : i32 to index
        %swap3A_354 = arith.constant 32 : index
        %swap3A_355 = tpu.vector_load %arg9[%swap3A_352, %swap3A_353, %swap3A_354] {strides = array<i32>} : memref<8x8x128xf32, #tpu.memory_space<vmem>>, vector<16xf32>,
        tpu.vector_store %arg9[%swap3A_352, %swap3A_353, %swap3A_354], %gather3A_338 {strides = array<i32>} : memref<8x8x128xf32, #tpu.memory_space<vmem>>, vector<16xf32>,
        %swap3A_356 = arith.index_cast %div3A_333 : i32 to index
        %swap3A_357 = arith.index_cast %rem3A_335 : i32 to index
        %swap3A_358 = arith.constant 48 : index
        %swap3A_359 = tpu.vector_load %arg9[%swap3A_356, %swap3A_357, %swap3A_358] {strides = array<i32>} : memref<8x8x128xf32, #tpu.memory_space<vmem>>, vector<16xf32>,
        tpu.vector_store %arg9[%swap3A_356, %swap3A_357, %swap3A_358], %gather3A_339 {strides = array<i32>} : memref<8x8x128xf32, #tpu.memory_space<vmem>>, vector<16xf32>,
        %swap3A_360 = arith.index_cast %div3A_333 : i32 to index
        %swap3A_361 = arith.index_cast %rem3A_335 : i32 to index
        %swap3A_362 = arith.constant 64 : index
        %swap3A_363 = tpu.vector_load %arg9[%swap3A_360, %swap3A_361, %swap3A_362] {strides = array<i32>} : memref<8x8x128xf32, #tpu.memory_space<vmem>>, vector<16xf32>,
        tpu.vector_store %arg9[%swap3A_360, %swap3A_361, %swap3A_362], %gather3A_340 {strides = array<i32>} : memref<8x8x128xf32, #tpu.memory_space<vmem>>, vector<16xf32>,
        %swap3A_364 = arith.index_cast %div3A_333 : i32 to index
        %swap3A_365 = arith.index_cast %rem3A_335 : i32 to index
        %swap3A_366 = arith.constant 80 : index
        %swap3A_367 = tpu.vector_load %arg9[%swap3A_364, %swap3A_365, %swap3A_366] {strides = array<i32>} : memref<8x8x128xf32, #tpu.memory_space<vmem>>, vector<16xf32>,
        tpu.vector_store %arg9[%swap3A_364, %swap3A_365, %swap3A_366], %gather3A_341 {strides = array<i32>} : memref<8x8x128xf32, #tpu.memory_space<vmem>>, vector<16xf32>,
        %swap3A_368 = arith.index_cast %div3A_333 : i32 to index
        %swap3A_369 = arith.index_cast %rem3A_335 : i32 to index
        %swap3A_370 = arith.constant 96 : index
        %swap3A_371 = tpu.vector_load %arg9[%swap3A_368, %swap3A_369, %swap3A_370] {strides = array<i32>} : memref<8x8x128xf32, #tpu.memory_space<vmem>>, vector<16xf32>,
        tpu.vector_store %arg9[%swap3A_368, %swap3A_369, %swap3A_370], %gather3A_342 {strides = array<i32>} : memref<8x8x128xf32, #tpu.memory_space<vmem>>, vector<16xf32>,
        %swap3A_372 = arith.index_cast %div3A_333 : i32 to index
        %swap3A_373 = arith.index_cast %rem3A_335 : i32 to index
        %swap3A_374 = arith.constant 112 : index
        %swap3A_375 = tpu.vector_load %arg9[%swap3A_372, %swap3A_373, %swap3A_374] {strides = array<i32>} : memref<8x8x128xf32, #tpu.memory_space<vmem>>, vector<16xf32>,
        tpu.vector_store %arg9[%swap3A_372, %swap3A_373, %swap3A_374], %gather3A_343 {strides = array<i32>} : memref<8x8x128xf32, #tpu.memory_space<vmem>>, vector<16xf32>,
      }
      %scan3A_261 = arith.constant 64 : i32
      %dma_start3A_262 = arith.constant 0 : i32
      %dma_start3A_263 = arith.constant 0 : i32
      %dma_start3A_264 = arith.constant 0 : i32
      %dma_start3A_265 = tpu.memref_slice %arg4[%add3A_240, %dma_start3A_262, %add3A, %dma_start3A_263, %dma_start3A_264] : memref<200x8x32x8x128xf32, #tpu.memory_space<hbm>> -> memref<1x8x1x8x128xf32, #tpu.memory_space<hbm>>
      %dma_start3A_266 = tpu.memref_squeeze %dma_start3A_265 : memref<1x8x1x8x128xf32, #tpu.memory_space<hbm>> -> memref<8x8x128xf32, #tpu.memory_space<hbm>>
      %dma_start3A_267 = arith.constant 0 : i32
      %dma_start3A_268 = arith.constant 0 : i32
      %dma_start3A_269 = arith.constant 0 : i32
      %dma_start3A_270 = tpu.memref_slice %arg4[%add3A_240, %dma_start3A_267, %add3A, %dma_start3A_268, %dma_start3A_269] : memref<200x8x32x8x128xf32, #tpu.memory_space<hbm>> -> memref<1x8x1x8x128xf32, #tpu.memory_space<hbm>>
      %dma_start3A_271 = tpu.memref_squeeze %dma_start3A_270 : memref<1x8x1x8x128xf32, #tpu.memory_space<hbm>> -> memref<8x8x128xf32, #tpu.memory_space<hbm>>
      tpu.enqueue_dma source(%arg9 : memref<8x8x128xf32, #tpu.memory_space<vmem>>) target(%dma_start3A_271 : memref<8x8x128xf32, #tpu.memory_space<hbm>>) target_semaphore(%arg13 : memref<!tpu.dma_semaphore, #tpu.memory_space<semaphore_mem>>)
      %add3A_272 = arith.constant 2 : i32
      %add3A_273 = arith.addi %add3A_240, %add3A_272 : i32
      %dma_start3A_274 = arith.constant 0 : i32
      %dma_start3A_275 = tpu.memref_slice %arg5[%add3A_273, %dma_start3A_274] : memref<200x128xi32, #tpu.memory_space<vmem>> -> memref<1x128xi32, #tpu.memory_space<vmem>>
      %dma_start3A_276 = tpu.memref_squeeze %dma_start3A_275 : memref<1x128xi32, #tpu.memory_space<vmem>> -> memref<128xi32, #tpu.memory_space<vmem>>
      %dma_start3A_277 = arith.constant 0 : i32
      %dma_start3A_278 = arith.constant 0 : i32
      %dma_start3A_279 = tpu.memref_slice %arg2[%dma_start3A_277, %dma_start3A_278] : memref<16658x64xf32, #tpu.memory_space<hbm>> -> memref<16658x64xf32, #tpu.memory_space<hbm>>
      tpu.enqueue_indirect_dma source(%dma_start3A_279 : memref<16658x64xf32, #tpu.memory_space<hbm>>) target(%arg7 : memref<128x64xf32, #tpu.memory_space<vmem>>) offsets(%dma_start3A_276 : memref<128xi32, #tpu.memory_space<vmem>>) semaphore(%arg11 : memref<!tpu.dma_semaphore, #tpu.memory_space<semaphore_mem>>)
    }
    %scan3A_102 = arith.constant 98 : i32
    %dma_wait3A_103 = arith.constant 198 : i32
    %dma_wait3A_104 = arith.constant 0 : i32
    %dma_wait3A_105 = arith.constant 0 : i32
    %dma_wait3A_106 = arith.constant 0 : i32
    %dma_wait3A_107 = tpu.memref_slice %arg4[%dma_wait3A_103, %dma_wait3A_104, %add3A, %dma_wait3A_105, %dma_wait3A_106] : memref<200x8x32x8x128xf32, #tpu.memory_space<hbm>> -> memref<1x8x1x8x128xf32, #tpu.memory_space<hbm>>
    %dma_wait3A_108 = tpu.memref_squeeze %dma_wait3A_107 : memref<1x8x1x8x128xf32, #tpu.memory_space<hbm>> -> memref<8x8x128xf32, #tpu.memory_space<hbm>>
    %dma_wait3A_109 = arith.constant 0 : i32
    %dma_wait3A_110 = arith.constant 0 : i32
    %dma_wait3A_111 = arith.constant 0 : i32
    %dma_wait3A_112 = tpu.memref_slice %arg4[%dma_wait3A_103, %dma_wait3A_109, %add3A, %dma_wait3A_110, %dma_wait3A_111] : memref<200x8x32x8x128xf32, #tpu.memory_space<hbm>> -> memref<1x8x1x8x128xf32, #tpu.memory_space<hbm>>
    %dma_wait3A_113 = tpu.memref_squeeze %dma_wait3A_112 : memref<1x8x1x8x128xf32, #tpu.memory_space<hbm>> -> memref<8x8x128xf32, #tpu.memory_space<hbm>>
    tpu.wait_dma2 semaphore(%arg12 : memref<!tpu.dma_semaphore, #tpu.memory_space<semaphore_mem>>) src(%arg8 : memref<8x8x128xf32, #tpu.memory_space<vmem>>) dst(%dma_wait3A_113 : memref<8x8x128xf32, #tpu.memory_space<hbm>>)
    %dma_wait3A_114 = arith.constant 198 : i32
    %dma_wait3A_115 = arith.constant 0 : i32
    %dma_wait3A_116 = tpu.memref_slice %arg5[%dma_wait3A_114, %dma_wait3A_115] : memref<200x128xi32, #tpu.memory_space<vmem>> -> memref<1x128xi32, #tpu.memory_space<vmem>>
    %dma_wait3A_117 = tpu.memref_squeeze %dma_wait3A_116 : memref<1x128xi32, #tpu.memory_space<vmem>> -> memref<128xi32, #tpu.memory_space<vmem>>
    %dma_wait3A_118 = arith.constant 0 : i32
    %dma_wait3A_119 = arith.constant 0 : i32
    %dma_wait3A_120 = tpu.memref_slice %arg2[%dma_wait3A_118, %dma_wait3A_119] : memref<16658x64xf32, #tpu.memory_space<hbm>> -> memref<16658x64xf32, #tpu.memory_space<hbm>>
    tpu.wait_indirect_dma semaphore(%arg10 : memref<!tpu.dma_semaphore, #tpu.memory_space<semaphore_mem>>) src(%dma_wait3A_120 : memref<16658x64xf32, #tpu.memory_space<hbm>>) dst(%arg6 : memref<128x64xf32, #tpu.memory_space<vmem>>)
    %scan3A_121 = arith.constant 0 : i32
    %scan3A_122 = arith.constant 64 : i32
    %scan3A_123 = arith.addi %scan3A_121, %scan3A_122 : i32
    %scan3A_124 = arith.constant 2 : i32
    scf.for %scan3A_193 = %scan3A_121 to %scan3A_123 step %scan3A_124  : i32 {
      %mul3A_194 = arith.constant 1 : i32
      %mul3A_195 = arith.muli %scan3A_193, %mul3A_194 : i32
      %add3A_196 = arith.constant 0 : i32
      %add3A_197 = arith.addi %add3A_196, %mul3A_195 : i32
      %broadcast_in_dim3A = vector.broadcast %add3A_197 : i32 to vector<16xi32>
      %div3A = arith.constant 8 : i32
      %div3A_198 = arith.divsi %add3A_197, %div3A : i32
      %rem3A = arith.constant 8 : i32
      %rem3A_199 = arith.remsi %add3A_197, %rem3A : i32
      %gather3A = tpu.vector_load_idx %arg6[%add3A_5, %broadcast_in_dim3A] : memref<128x64xf32, #tpu.memory_space<vmem>>[vector<16xi32>, vector<16xi32>], vector<16xf32>,
      %gather3A_200 = tpu.vector_load_idx %arg6[%add3A_8, %broadcast_in_dim3A] : memref<128x64xf32, #tpu.memory_space<vmem>>[vector<16xi32>, vector<16xi32>], vector<16xf32>,
      %gather3A_201 = tpu.vector_load_idx %arg6[%add3A_11, %broadcast_in_dim3A] : memref<128x64xf32, #tpu.memory_space<vmem>>[vector<16xi32>, vector<16xi32>], vector<16xf32>,
      %gather3A_202 = tpu.vector_load_idx %arg6[%add3A_14, %broadcast_in_dim3A] : memref<128x64xf32, #tpu.memory_space<vmem>>[vector<16xi32>, vector<16xi32>], vector<16xf32>,
      %gather3A_203 = tpu.vector_load_idx %arg6[%add3A_17, %broadcast_in_dim3A] : memref<128x64xf32, #tpu.memory_space<vmem>>[vector<16xi32>, vector<16xi32>], vector<16xf32>,
      %gather3A_204 = tpu.vector_load_idx %arg6[%add3A_20, %broadcast_in_dim3A] : memref<128x64xf32, #tpu.memory_space<vmem>>[vector<16xi32>, vector<16xi32>], vector<16xf32>,
      %gather3A_205 = tpu.vector_load_idx %arg6[%add3A_23, %broadcast_in_dim3A] : memref<128x64xf32, #tpu.memory_space<vmem>>[vector<16xi32>, vector<16xi32>], vector<16xf32>,
      %gather3A_206 = tpu.vector_load_idx %arg6[%add3A_26, %broadcast_in_dim3A] : memref<128x64xf32, #tpu.memory_space<vmem>>[vector<16xi32>, vector<16xi32>], vector<16xf32>,
      %swap3A = arith.index_cast %div3A_198 : i32 to index
      %swap3A_207 = arith.index_cast %rem3A_199 : i32 to index
      %swap3A_208 = arith.constant 0 : index
      %swap3A_209 = tpu.vector_load %arg8[%swap3A, %swap3A_207, %swap3A_208] {strides = array<i32>} : memref<8x8x128xf32, #tpu.memory_space<vmem>>, vector<16xf32>,
      tpu.vector_store %arg8[%swap3A, %swap3A_207, %swap3A_208], %gather3A {strides = array<i32>} : memref<8x8x128xf32, #tpu.memory_space<vmem>>, vector<16xf32>,
      %swap3A_210 = arith.index_cast %div3A_198 : i32 to index
      %swap3A_211 = arith.index_cast %rem3A_199 : i32 to index
      %swap3A_212 = arith.constant 16 : index
      %swap3A_213 = tpu.vector_load %arg8[%swap3A_210, %swap3A_211, %swap3A_212] {strides = array<i32>} : memref<8x8x128xf32, #tpu.memory_space<vmem>>, vector<16xf32>,
      tpu.vector_store %arg8[%swap3A_210, %swap3A_211, %swap3A_212], %gather3A_200 {strides = array<i32>} : memref<8x8x128xf32, #tpu.memory_space<vmem>>, vector<16xf32>,
      %swap3A_214 = arith.index_cast %div3A_198 : i32 to index
      %swap3A_215 = arith.index_cast %rem3A_199 : i32 to index
      %swap3A_216 = arith.constant 32 : index
      %swap3A_217 = tpu.vector_load %arg8[%swap3A_214, %swap3A_215, %swap3A_216] {strides = array<i32>} : memref<8x8x128xf32, #tpu.memory_space<vmem>>, vector<16xf32>,
      tpu.vector_store %arg8[%swap3A_214, %swap3A_215, %swap3A_216], %gather3A_201 {strides = array<i32>} : memref<8x8x128xf32, #tpu.memory_space<vmem>>, vector<16xf32>,
      %swap3A_218 = arith.index_cast %div3A_198 : i32 to index
      %swap3A_219 = arith.index_cast %rem3A_199 : i32 to index
      %swap3A_220 = arith.constant 48 : index
      %swap3A_221 = tpu.vector_load %arg8[%swap3A_218, %swap3A_219, %swap3A_220] {strides = array<i32>} : memref<8x8x128xf32, #tpu.memory_space<vmem>>, vector<16xf32>,
      tpu.vector_store %arg8[%swap3A_218, %swap3A_219, %swap3A_220], %gather3A_202 {strides = array<i32>} : memref<8x8x128xf32, #tpu.memory_space<vmem>>, vector<16xf32>,
      %swap3A_222 = arith.index_cast %div3A_198 : i32 to index
      %swap3A_223 = arith.index_cast %rem3A_199 : i32 to index
      %swap3A_224 = arith.constant 64 : index
      %swap3A_225 = tpu.vector_load %arg8[%swap3A_222, %swap3A_223, %swap3A_224] {strides = array<i32>} : memref<8x8x128xf32, #tpu.memory_space<vmem>>, vector<16xf32>,
      tpu.vector_store %arg8[%swap3A_222, %swap3A_223, %swap3A_224], %gather3A_203 {strides = array<i32>} : memref<8x8x128xf32, #tpu.memory_space<vmem>>, vector<16xf32>,
      %swap3A_226 = arith.index_cast %div3A_198 : i32 to index
      %swap3A_227 = arith.index_cast %rem3A_199 : i32 to index
      %swap3A_228 = arith.constant 80 : index
      %swap3A_229 = tpu.vector_load %arg8[%swap3A_226, %swap3A_227, %swap3A_228] {strides = array<i32>} : memref<8x8x128xf32, #tpu.memory_space<vmem>>, vector<16xf32>,
      tpu.vector_store %arg8[%swap3A_226, %swap3A_227, %swap3A_228], %gather3A_204 {strides = array<i32>} : memref<8x8x128xf32, #tpu.memory_space<vmem>>, vector<16xf32>,
      %swap3A_230 = arith.index_cast %div3A_198 : i32 to index
      %swap3A_231 = arith.index_cast %rem3A_199 : i32 to index
      %swap3A_232 = arith.constant 96 : index
      %swap3A_233 = tpu.vector_load %arg8[%swap3A_230, %swap3A_231, %swap3A_232] {strides = array<i32>} : memref<8x8x128xf32, #tpu.memory_space<vmem>>, vector<16xf32>,
      tpu.vector_store %arg8[%swap3A_230, %swap3A_231, %swap3A_232], %gather3A_205 {strides = array<i32>} : memref<8x8x128xf32, #tpu.memory_space<vmem>>, vector<16xf32>,
      %swap3A_234 = arith.index_cast %div3A_198 : i32 to index
      %swap3A_235 = arith.index_cast %rem3A_199 : i32 to index
      %swap3A_236 = arith.constant 112 : index
      %swap3A_237 = tpu.vector_load %arg8[%swap3A_234, %swap3A_235, %swap3A_236] {strides = array<i32>} : memref<8x8x128xf32, #tpu.memory_space<vmem>>, vector<16xf32>,
      tpu.vector_store %arg8[%swap3A_234, %swap3A_235, %swap3A_236], %gather3A_206 {strides = array<i32>} : memref<8x8x128xf32, #tpu.memory_space<vmem>>, vector<16xf32>,
      %scan3A_238 = arith.constant 1 : i32
      %scan3A_239 = arith.addi %scan3A_193, %scan3A_238 : i32
      %mul3A_240 = arith.constant 1 : i32
      %mul3A_241 = arith.muli %scan3A_239, %mul3A_240 : i32
      %add3A_242 = arith.constant 0 : i32
      %add3A_243 = arith.addi %add3A_242, %mul3A_241 : i32
      %broadcast_in_dim3A_244 = vector.broadcast %add3A_243 : i32 to vector<16xi32>
      %div3A_245 = arith.constant 8 : i32
      %div3A_246 = arith.divsi %add3A_243, %div3A_245 : i32
      %rem3A_247 = arith.constant 8 : i32
      %rem3A_248 = arith.remsi %add3A_243, %rem3A_247 : i32
      %gather3A_249 = tpu.vector_load_idx %arg6[%add3A_5, %broadcast_in_dim3A_244] : memref<128x64xf32, #tpu.memory_space<vmem>>[vector<16xi32>, vector<16xi32>], vector<16xf32>,
      %gather3A_250 = tpu.vector_load_idx %arg6[%add3A_8, %broadcast_in_dim3A_244] : memref<128x64xf32, #tpu.memory_space<vmem>>[vector<16xi32>, vector<16xi32>], vector<16xf32>,
      %gather3A_251 = tpu.vector_load_idx %arg6[%add3A_11, %broadcast_in_dim3A_244] : memref<128x64xf32, #tpu.memory_space<vmem>>[vector<16xi32>, vector<16xi32>], vector<16xf32>,
      %gather3A_252 = tpu.vector_load_idx %arg6[%add3A_14, %broadcast_in_dim3A_244] : memref<128x64xf32, #tpu.memory_space<vmem>>[vector<16xi32>, vector<16xi32>], vector<16xf32>,
      %gather3A_253 = tpu.vector_load_idx %arg6[%add3A_17, %broadcast_in_dim3A_244] : memref<128x64xf32, #tpu.memory_space<vmem>>[vector<16xi32>, vector<16xi32>], vector<16xf32>,
      %gather3A_254 = tpu.vector_load_idx %arg6[%add3A_20, %broadcast_in_dim3A_244] : memref<128x64xf32, #tpu.memory_space<vmem>>[vector<16xi32>, vector<16xi32>], vector<16xf32>,
      %gather3A_255 = tpu.vector_load_idx %arg6[%add3A_23, %broadcast_in_dim3A_244] : memref<128x64xf32, #tpu.memory_space<vmem>>[vector<16xi32>, vector<16xi32>], vector<16xf32>,
      %gather3A_256 = tpu.vector_load_idx %arg6[%add3A_26, %broadcast_in_dim3A_244] : memref<128x64xf32, #tpu.memory_space<vmem>>[vector<16xi32>, vector<16xi32>], vector<16xf32>,
      %swap3A_257 = arith.index_cast %div3A_246 : i32 to index
      %swap3A_258 = arith.index_cast %rem3A_248 : i32 to index
      %swap3A_259 = arith.constant 0 : index
      %swap3A_260 = tpu.vector_load %arg8[%swap3A_257, %swap3A_258, %swap3A_259] {strides = array<i32>} : memref<8x8x128xf32, #tpu.memory_space<vmem>>, vector<16xf32>,
      tpu.vector_store %arg8[%swap3A_257, %swap3A_258, %swap3A_259], %gather3A_249 {strides = array<i32>} : memref<8x8x128xf32, #tpu.memory_space<vmem>>, vector<16xf32>,
      %swap3A_261 = arith.index_cast %div3A_246 : i32 to index
      %swap3A_262 = arith.index_cast %rem3A_248 : i32 to index
      %swap3A_263 = arith.constant 16 : index
      %swap3A_264 = tpu.vector_load %arg8[%swap3A_261, %swap3A_262, %swap3A_263] {strides = array<i32>} : memref<8x8x128xf32, #tpu.memory_space<vmem>>, vector<16xf32>,
      tpu.vector_store %arg8[%swap3A_261, %swap3A_262, %swap3A_263], %gather3A_250 {strides = array<i32>} : memref<8x8x128xf32, #tpu.memory_space<vmem>>, vector<16xf32>,
      %swap3A_265 = arith.index_cast %div3A_246 : i32 to index
      %swap3A_266 = arith.index_cast %rem3A_248 : i32 to index
      %swap3A_267 = arith.constant 32 : index
      %swap3A_268 = tpu.vector_load %arg8[%swap3A_265, %swap3A_266, %swap3A_267] {strides = array<i32>} : memref<8x8x128xf32, #tpu.memory_space<vmem>>, vector<16xf32>,
      tpu.vector_store %arg8[%swap3A_265, %swap3A_266, %swap3A_267], %gather3A_251 {strides = array<i32>} : memref<8x8x128xf32, #tpu.memory_space<vmem>>, vector<16xf32>,
      %swap3A_269 = arith.index_cast %div3A_246 : i32 to index
      %swap3A_270 = arith.index_cast %rem3A_248 : i32 to index
      %swap3A_271 = arith.constant 48 : index
      %swap3A_272 = tpu.vector_load %arg8[%swap3A_269, %swap3A_270, %swap3A_271] {strides = array<i32>} : memref<8x8x128xf32, #tpu.memory_space<vmem>>, vector<16xf32>,
      tpu.vector_store %arg8[%swap3A_269, %swap3A_270, %swap3A_271], %gather3A_252 {strides = array<i32>} : memref<8x8x128xf32, #tpu.memory_space<vmem>>, vector<16xf32>,
      %swap3A_273 = arith.index_cast %div3A_246 : i32 to index
      %swap3A_274 = arith.index_cast %rem3A_248 : i32 to index
      %swap3A_275 = arith.constant 64 : index
      %swap3A_276 = tpu.vector_load %arg8[%swap3A_273, %swap3A_274, %swap3A_275] {strides = array<i32>} : memref<8x8x128xf32, #tpu.memory_space<vmem>>, vector<16xf32>,
      tpu.vector_store %arg8[%swap3A_273, %swap3A_274, %swap3A_275], %gather3A_253 {strides = array<i32>} : memref<8x8x128xf32, #tpu.memory_space<vmem>>, vector<16xf32>,
      %swap3A_277 = arith.index_cast %div3A_246 : i32 to index
      %swap3A_278 = arith.index_cast %rem3A_248 : i32 to index
      %swap3A_279 = arith.constant 80 : index
      %swap3A_280 = tpu.vector_load %arg8[%swap3A_277, %swap3A_278, %swap3A_279] {strides = array<i32>} : memref<8x8x128xf32, #tpu.memory_space<vmem>>, vector<16xf32>,
      tpu.vector_store %arg8[%swap3A_277, %swap3A_278, %swap3A_279], %gather3A_254 {strides = array<i32>} : memref<8x8x128xf32, #tpu.memory_space<vmem>>, vector<16xf32>,
      %swap3A_281 = arith.index_cast %div3A_246 : i32 to index
      %swap3A_282 = arith.index_cast %rem3A_248 : i32 to index
      %swap3A_283 = arith.constant 96 : index
      %swap3A_284 = tpu.vector_load %arg8[%swap3A_281, %swap3A_282, %swap3A_283] {strides = array<i32>} : memref<8x8x128xf32, #tpu.memory_space<vmem>>, vector<16xf32>,
      tpu.vector_store %arg8[%swap3A_281, %swap3A_282, %swap3A_283], %gather3A_255 {strides = array<i32>} : memref<8x8x128xf32, #tpu.memory_space<vmem>>, vector<16xf32>,
      %swap3A_285 = arith.index_cast %div3A_246 : i32 to index
      %swap3A_286 = arith.index_cast %rem3A_248 : i32 to index
      %swap3A_287 = arith.constant 112 : index
      %swap3A_288 = tpu.vector_load %arg8[%swap3A_285, %swap3A_286, %swap3A_287] {strides = array<i32>} : memref<8x8x128xf32, #tpu.memory_space<vmem>>, vector<16xf32>,
      tpu.vector_store %arg8[%swap3A_285, %swap3A_286, %swap3A_287], %gather3A_256 {strides = array<i32>} : memref<8x8x128xf32, #tpu.memory_space<vmem>>, vector<16xf32>,
    }
    %scan3A_125 = arith.constant 64 : i32
    %dma_start3A_126 = arith.constant 198 : i32
    %dma_start3A_127 = arith.constant 0 : i32
    %dma_start3A_128 = arith.constant 0 : i32
    %dma_start3A_129 = arith.constant 0 : i32
    %dma_start3A_130 = tpu.memref_slice %arg4[%dma_start3A_126, %dma_start3A_127, %add3A, %dma_start3A_128, %dma_start3A_129] : memref<200x8x32x8x128xf32, #tpu.memory_space<hbm>> -> memref<1x8x1x8x128xf32, #tpu.memory_space<hbm>>
    %dma_start3A_131 = tpu.memref_squeeze %dma_start3A_130 : memref<1x8x1x8x128xf32, #tpu.memory_space<hbm>> -> memref<8x8x128xf32, #tpu.memory_space<hbm>>
    %dma_start3A_132 = arith.constant 0 : i32
    %dma_start3A_133 = arith.constant 0 : i32
    %dma_start3A_134 = arith.constant 0 : i32
    %dma_start3A_135 = tpu.memref_slice %arg4[%dma_start3A_126, %dma_start3A_132, %add3A, %dma_start3A_133, %dma_start3A_134] : memref<200x8x32x8x128xf32, #tpu.memory_space<hbm>> -> memref<1x8x1x8x128xf32, #tpu.memory_space<hbm>>
    %dma_start3A_136 = tpu.memref_squeeze %dma_start3A_135 : memref<1x8x1x8x128xf32, #tpu.memory_space<hbm>> -> memref<8x8x128xf32, #tpu.memory_space<hbm>>
    tpu.enqueue_dma source(%arg8 : memref<8x8x128xf32, #tpu.memory_space<vmem>>) target(%dma_start3A_136 : memref<8x8x128xf32, #tpu.memory_space<hbm>>) target_semaphore(%arg12 : memref<!tpu.dma_semaphore, #tpu.memory_space<semaphore_mem>>)
    %dma_wait3A_137 = arith.constant 199 : i32
    %dma_wait3A_138 = arith.constant 0 : i32
    %dma_wait3A_139 = arith.constant 0 : i32
    %dma_wait3A_140 = arith.constant 0 : i32
    %dma_wait3A_141 = tpu.memref_slice %arg4[%dma_wait3A_137, %dma_wait3A_138, %add3A, %dma_wait3A_139, %dma_wait3A_140] : memref<200x8x32x8x128xf32, #tpu.memory_space<hbm>> -> memref<1x8x1x8x128xf32, #tpu.memory_space<hbm>>
    %dma_wait3A_142 = tpu.memref_squeeze %dma_wait3A_141 : memref<1x8x1x8x128xf32, #tpu.memory_space<hbm>> -> memref<8x8x128xf32, #tpu.memory_space<hbm>>
    %dma_wait3A_143 = arith.constant 0 : i32
    %dma_wait3A_144 = arith.constant 0 : i32
    %dma_wait3A_145 = arith.constant 0 : i32
    %dma_wait3A_146 = tpu.memref_slice %arg4[%dma_wait3A_137, %dma_wait3A_143, %add3A, %dma_wait3A_144, %dma_wait3A_145] : memref<200x8x32x8x128xf32, #tpu.memory_space<hbm>> -> memref<1x8x1x8x128xf32, #tpu.memory_space<hbm>>
    %dma_wait3A_147 = tpu.memref_squeeze %dma_wait3A_146 : memref<1x8x1x8x128xf32, #tpu.memory_space<hbm>> -> memref<8x8x128xf32, #tpu.memory_space<hbm>>
    tpu.wait_dma2 semaphore(%arg13 : memref<!tpu.dma_semaphore, #tpu.memory_space<semaphore_mem>>) src(%arg9 : memref<8x8x128xf32, #tpu.memory_space<vmem>>) dst(%dma_wait3A_147 : memref<8x8x128xf32, #tpu.memory_space<hbm>>)
    %dma_wait3A_148 = arith.constant 199 : i32
    %dma_wait3A_149 = arith.constant 0 : i32
    %dma_wait3A_150 = tpu.memref_slice %arg5[%dma_wait3A_148, %dma_wait3A_149] : memref<200x128xi32, #tpu.memory_space<vmem>> -> memref<1x128xi32, #tpu.memory_space<vmem>>
    %dma_wait3A_151 = tpu.memref_squeeze %dma_wait3A_150 : memref<1x128xi32, #tpu.memory_space<vmem>> -> memref<128xi32, #tpu.memory_space<vmem>>
    %dma_wait3A_152 = arith.constant 0 : i32
    %dma_wait3A_153 = arith.constant 0 : i32
    %dma_wait3A_154 = tpu.memref_slice %arg2[%dma_wait3A_152, %dma_wait3A_153] : memref<16658x64xf32, #tpu.memory_space<hbm>> -> memref<16658x64xf32, #tpu.memory_space<hbm>>
    tpu.wait_indirect_dma semaphore(%arg11 : memref<!tpu.dma_semaphore, #tpu.memory_space<semaphore_mem>>) src(%dma_wait3A_154 : memref<16658x64xf32, #tpu.memory_space<hbm>>) dst(%arg7 : memref<128x64xf32, #tpu.memory_space<vmem>>)
    %scan3A_155 = arith.constant 0 : i32
    %scan3A_156 = arith.constant 64 : i32
    %scan3A_157 = arith.addi %scan3A_155, %scan3A_156 : i32
    %scan3A_158 = arith.constant 2 : i32
    scf.for %scan3A_193 = %scan3A_155 to %scan3A_157 step %scan3A_158  : i32 {
      %mul3A_194 = arith.constant 1 : i32
      %mul3A_195 = arith.muli %scan3A_193, %mul3A_194 : i32
      %add3A_196 = arith.constant 0 : i32
      %add3A_197 = arith.addi %add3A_196, %mul3A_195 : i32
      %broadcast_in_dim3A = vector.broadcast %add3A_197 : i32 to vector<16xi32>
      %div3A = arith.constant 8 : i32
      %div3A_198 = arith.divsi %add3A_197, %div3A : i32
      %rem3A = arith.constant 8 : i32
      %rem3A_199 = arith.remsi %add3A_197, %rem3A : i32
      %gather3A = tpu.vector_load_idx %arg7[%add3A_5, %broadcast_in_dim3A] : memref<128x64xf32, #tpu.memory_space<vmem>>[vector<16xi32>, vector<16xi32>], vector<16xf32>,
      %gather3A_200 = tpu.vector_load_idx %arg7[%add3A_8, %broadcast_in_dim3A] : memref<128x64xf32, #tpu.memory_space<vmem>>[vector<16xi32>, vector<16xi32>], vector<16xf32>,
      %gather3A_201 = tpu.vector_load_idx %arg7[%add3A_11, %broadcast_in_dim3A] : memref<128x64xf32, #tpu.memory_space<vmem>>[vector<16xi32>, vector<16xi32>], vector<16xf32>,
      %gather3A_202 = tpu.vector_load_idx %arg7[%add3A_14, %broadcast_in_dim3A] : memref<128x64xf32, #tpu.memory_space<vmem>>[vector<16xi32>, vector<16xi32>], vector<16xf32>,
      %gather3A_203 = tpu.vector_load_idx %arg7[%add3A_17, %broadcast_in_dim3A] : memref<128x64xf32, #tpu.memory_space<vmem>>[vector<16xi32>, vector<16xi32>], vector<16xf32>,
      %gather3A_204 = tpu.vector_load_idx %arg7[%add3A_20, %broadcast_in_dim3A] : memref<128x64xf32, #tpu.memory_space<vmem>>[vector<16xi32>, vector<16xi32>], vector<16xf32>,
      %gather3A_205 = tpu.vector_load_idx %arg7[%add3A_23, %broadcast_in_dim3A] : memref<128x64xf32, #tpu.memory_space<vmem>>[vector<16xi32>, vector<16xi32>], vector<16xf32>,
      %gather3A_206 = tpu.vector_load_idx %arg7[%add3A_26, %broadcast_in_dim3A] : memref<128x64xf32, #tpu.memory_space<vmem>>[vector<16xi32>, vector<16xi32>], vector<16xf32>,
      %swap3A = arith.index_cast %div3A_198 : i32 to index
      %swap3A_207 = arith.index_cast %rem3A_199 : i32 to index
      %swap3A_208 = arith.constant 0 : index
      %swap3A_209 = tpu.vector_load %arg9[%swap3A, %swap3A_207, %swap3A_208] {strides = array<i32>} : memref<8x8x128xf32, #tpu.memory_space<vmem>>, vector<16xf32>,
      tpu.vector_store %arg9[%swap3A, %swap3A_207, %swap3A_208], %gather3A {strides = array<i32>} : memref<8x8x128xf32, #tpu.memory_space<vmem>>, vector<16xf32>,
      %swap3A_210 = arith.index_cast %div3A_198 : i32 to index
      %swap3A_211 = arith.index_cast %rem3A_199 : i32 to index
      %swap3A_212 = arith.constant 16 : index
      %swap3A_213 = tpu.vector_load %arg9[%swap3A_210, %swap3A_211, %swap3A_212] {strides = array<i32>} : memref<8x8x128xf32, #tpu.memory_space<vmem>>, vector<16xf32>,
      tpu.vector_store %arg9[%swap3A_210, %swap3A_211, %swap3A_212], %gather3A_200 {strides = array<i32>} : memref<8x8x128xf32, #tpu.memory_space<vmem>>, vector<16xf32>,
      %swap3A_214 = arith.index_cast %div3A_198 : i32 to index
      %swap3A_215 = arith.index_cast %rem3A_199 : i32 to index
      %swap3A_216 = arith.constant 32 : index
      %swap3A_217 = tpu.vector_load %arg9[%swap3A_214, %swap3A_215, %swap3A_216] {strides = array<i32>} : memref<8x8x128xf32, #tpu.memory_space<vmem>>, vector<16xf32>,
      tpu.vector_store %arg9[%swap3A_214, %swap3A_215, %swap3A_216], %gather3A_201 {strides = array<i32>} : memref<8x8x128xf32, #tpu.memory_space<vmem>>, vector<16xf32>,
      %swap3A_218 = arith.index_cast %div3A_198 : i32 to index
      %swap3A_219 = arith.index_cast %rem3A_199 : i32 to index
      %swap3A_220 = arith.constant 48 : index
      %swap3A_221 = tpu.vector_load %arg9[%swap3A_218, %swap3A_219, %swap3A_220] {strides = array<i32>} : memref<8x8x128xf32, #tpu.memory_space<vmem>>, vector<16xf32>,
      tpu.vector_store %arg9[%swap3A_218, %swap3A_219, %swap3A_220], %gather3A_202 {strides = array<i32>} : memref<8x8x128xf32, #tpu.memory_space<vmem>>, vector<16xf32>,
      %swap3A_222 = arith.index_cast %div3A_198 : i32 to index
      %swap3A_223 = arith.index_cast %rem3A_199 : i32 to index
      %swap3A_224 = arith.constant 64 : index
      %swap3A_225 = tpu.vector_load %arg9[%swap3A_222, %swap3A_223, %swap3A_224] {strides = array<i32>} : memref<8x8x128xf32, #tpu.memory_space<vmem>>, vector<16xf32>,
      tpu.vector_store %arg9[%swap3A_222, %swap3A_223, %swap3A_224], %gather3A_203 {strides = array<i32>} : memref<8x8x128xf32, #tpu.memory_space<vmem>>, vector<16xf32>,
      %swap3A_226 = arith.index_cast %div3A_198 : i32 to index
      %swap3A_227 = arith.index_cast %rem3A_199 : i32 to index
      %swap3A_228 = arith.constant 80 : index
      %swap3A_229 = tpu.vector_load %arg9[%swap3A_226, %swap3A_227, %swap3A_228] {strides = array<i32>} : memref<8x8x128xf32, #tpu.memory_space<vmem>>, vector<16xf32>,
      tpu.vector_store %arg9[%swap3A_226, %swap3A_227, %swap3A_228], %gather3A_204 {strides = array<i32>} : memref<8x8x128xf32, #tpu.memory_space<vmem>>, vector<16xf32>,
      %swap3A_230 = arith.index_cast %div3A_198 : i32 to index
      %swap3A_231 = arith.index_cast %rem3A_199 : i32 to index
      %swap3A_232 = arith.constant 96 : index
      %swap3A_233 = tpu.vector_load %arg9[%swap3A_230, %swap3A_231, %swap3A_232] {strides = array<i32>} : memref<8x8x128xf32, #tpu.memory_space<vmem>>, vector<16xf32>,
      tpu.vector_store %arg9[%swap3A_230, %swap3A_231, %swap3A_232], %gather3A_205 {strides = array<i32>} : memref<8x8x128xf32, #tpu.memory_space<vmem>>, vector<16xf32>,
      %swap3A_234 = arith.index_cast %div3A_198 : i32 to index
      %swap3A_235 = arith.index_cast %rem3A_199 : i32 to index
      %swap3A_236 = arith.constant 112 : index
      %swap3A_237 = tpu.vector_load %arg9[%swap3A_234, %swap3A_235, %swap3A_236] {strides = array<i32>} : memref<8x8x128xf32, #tpu.memory_space<vmem>>, vector<16xf32>,
      tpu.vector_store %arg9[%swap3A_234, %swap3A_235, %swap3A_236], %gather3A_206 {strides = array<i32>} : memref<8x8x128xf32, #tpu.memory_space<vmem>>, vector<16xf32>,
      %scan3A_238 = arith.constant 1 : i32
      %scan3A_239 = arith.addi %scan3A_193, %scan3A_238 : i32
      %mul3A_240 = arith.constant 1 : i32
      %mul3A_241 = arith.muli %scan3A_239, %mul3A_240 : i32
      %add3A_242 = arith.constant 0 : i32
      %add3A_243 = arith.addi %add3A_242, %mul3A_241 : i32
      %broadcast_in_dim3A_244 = vector.broadcast %add3A_243 : i32 to vector<16xi32>
      %div3A_245 = arith.constant 8 : i32
      %div3A_246 = arith.divsi %add3A_243, %div3A_245 : i32
      %rem3A_247 = arith.constant 8 : i32
      %rem3A_248 = arith.remsi %add3A_243, %rem3A_247 : i32
      %gather3A_249 = tpu.vector_load_idx %arg7[%add3A_5, %broadcast_in_dim3A_244] : memref<128x64xf32, #tpu.memory_space<vmem>>[vector<16xi32>, vector<16xi32>], vector<16xf32>,
      %gather3A_250 = tpu.vector_load_idx %arg7[%add3A_8, %broadcast_in_dim3A_244] : memref<128x64xf32, #tpu.memory_space<vmem>>[vector<16xi32>, vector<16xi32>], vector<16xf32>,
      %gather3A_251 = tpu.vector_load_idx %arg7[%add3A_11, %broadcast_in_dim3A_244] : memref<128x64xf32, #tpu.memory_space<vmem>>[vector<16xi32>, vector<16xi32>], vector<16xf32>,
      %gather3A_252 = tpu.vector_load_idx %arg7[%add3A_14, %broadcast_in_dim3A_244] : memref<128x64xf32, #tpu.memory_space<vmem>>[vector<16xi32>, vector<16xi32>], vector<16xf32>,
      %gather3A_253 = tpu.vector_load_idx %arg7[%add3A_17, %broadcast_in_dim3A_244] : memref<128x64xf32, #tpu.memory_space<vmem>>[vector<16xi32>, vector<16xi32>], vector<16xf32>,
      %gather3A_254 = tpu.vector_load_idx %arg7[%add3A_20, %broadcast_in_dim3A_244] : memref<128x64xf32, #tpu.memory_space<vmem>>[vector<16xi32>, vector<16xi32>], vector<16xf32>,
      %gather3A_255 = tpu.vector_load_idx %arg7[%add3A_23, %broadcast_in_dim3A_244] : memref<128x64xf32, #tpu.memory_space<vmem>>[vector<16xi32>, vector<16xi32>], vector<16xf32>,
      %gather3A_256 = tpu.vector_load_idx %arg7[%add3A_26, %broadcast_in_dim3A_244] : memref<128x64xf32, #tpu.memory_space<vmem>>[vector<16xi32>, vector<16xi32>], vector<16xf32>,
      %swap3A_257 = arith.index_cast %div3A_246 : i32 to index
      %swap3A_258 = arith.index_cast %rem3A_248 : i32 to index
      %swap3A_259 = arith.constant 0 : index
      %swap3A_260 = tpu.vector_load %arg9[%swap3A_257, %swap3A_258, %swap3A_259] {strides = array<i32>} : memref<8x8x128xf32, #tpu.memory_space<vmem>>, vector<16xf32>,
      tpu.vector_store %arg9[%swap3A_257, %swap3A_258, %swap3A_259], %gather3A_249 {strides = array<i32>} : memref<8x8x128xf32, #tpu.memory_space<vmem>>, vector<16xf32>,
      %swap3A_261 = arith.index_cast %div3A_246 : i32 to index
      %swap3A_262 = arith.index_cast %rem3A_248 : i32 to index
      %swap3A_263 = arith.constant 16 : index
      %swap3A_264 = tpu.vector_load %arg9[%swap3A_261, %swap3A_262, %swap3A_263] {strides = array<i32>} : memref<8x8x128xf32, #tpu.memory_space<vmem>>, vector<16xf32>,
      tpu.vector_store %arg9[%swap3A_261, %swap3A_262, %swap3A_263], %gather3A_250 {strides = array<i32>} : memref<8x8x128xf32, #tpu.memory_space<vmem>>, vector<16xf32>,
      %swap3A_265 = arith.index_cast %div3A_246 : i32 to index
      %swap3A_266 = arith.index_cast %rem3A_248 : i32 to index
      %swap3A_267 = arith.constant 32 : index
      %swap3A_268 = tpu.vector_load %arg9[%swap3A_265, %swap3A_266, %swap3A_267] {strides = array<i32>} : memref<8x8x128xf32, #tpu.memory_space<vmem>>, vector<16xf32>,
      tpu.vector_store %arg9[%swap3A_265, %swap3A_266, %swap3A_267], %gather3A_251 {strides = array<i32>} : memref<8x8x128xf32, #tpu.memory_space<vmem>>, vector<16xf32>,
      %swap3A_269 = arith.index_cast %div3A_246 : i32 to index
      %swap3A_270 = arith.index_cast %rem3A_248 : i32 to index
      %swap3A_271 = arith.constant 48 : index
      %swap3A_272 = tpu.vector_load %arg9[%swap3A_269, %swap3A_270, %swap3A_271] {strides = array<i32>} : memref<8x8x128xf32, #tpu.memory_space<vmem>>, vector<16xf32>,
      tpu.vector_store %arg9[%swap3A_269, %swap3A_270, %swap3A_271], %gather3A_252 {strides = array<i32>} : memref<8x8x128xf32, #tpu.memory_space<vmem>>, vector<16xf32>,
      %swap3A_273 = arith.index_cast %div3A_246 : i32 to index
      %swap3A_274 = arith.index_cast %rem3A_248 : i32 to index
      %swap3A_275 = arith.constant 64 : index
      %swap3A_276 = tpu.vector_load %arg9[%swap3A_273, %swap3A_274, %swap3A_275] {strides = array<i32>} : memref<8x8x128xf32, #tpu.memory_space<vmem>>, vector<16xf32>,
      tpu.vector_store %arg9[%swap3A_273, %swap3A_274, %swap3A_275], %gather3A_253 {strides = array<i32>} : memref<8x8x128xf32, #tpu.memory_space<vmem>>, vector<16xf32>,
      %swap3A_277 = arith.index_cast %div3A_246 : i32 to index
      %swap3A_278 = arith.index_cast %rem3A_248 : i32 to index
      %swap3A_279 = arith.constant 80 : index
      %swap3A_280 = tpu.vector_load %arg9[%swap3A_277, %swap3A_278, %swap3A_279] {strides = array<i32>} : memref<8x8x128xf32, #tpu.memory_space<vmem>>, vector<16xf32>,
      tpu.vector_store %arg9[%swap3A_277, %swap3A_278, %swap3A_279], %gather3A_254 {strides = array<i32>} : memref<8x8x128xf32, #tpu.memory_space<vmem>>, vector<16xf32>,
      %swap3A_281 = arith.index_cast %div3A_246 : i32 to index
      %swap3A_282 = arith.index_cast %rem3A_248 : i32 to index
      %swap3A_283 = arith.constant 96 : index
      %swap3A_284 = tpu.vector_load %arg9[%swap3A_281, %swap3A_282, %swap3A_283] {strides = array<i32>} : memref<8x8x128xf32, #tpu.memory_space<vmem>>, vector<16xf32>,
      tpu.vector_store %arg9[%swap3A_281, %swap3A_282, %swap3A_283], %gather3A_255 {strides = array<i32>} : memref<8x8x128xf32, #tpu.memory_space<vmem>>, vector<16xf32>,
      %swap3A_285 = arith.index_cast %div3A_246 : i32 to index
      %swap3A_286 = arith.index_cast %rem3A_248 : i32 to index
      %swap3A_287 = arith.constant 112 : index
      %swap3A_288 = tpu.vector_load %arg9[%swap3A_285, %swap3A_286, %swap3A_287] {strides = array<i32>} : memref<8x8x128xf32, #tpu.memory_space<vmem>>, vector<16xf32>,
      tpu.vector_store %arg9[%swap3A_285, %swap3A_286, %swap3A_287], %gather3A_256 {strides = array<i32>} : memref<8x8x128xf32, #tpu.memory_space<vmem>>, vector<16xf32>,
    }
    %scan3A_159 = arith.constant 64 : i32
    %dma_start3A_160 = arith.constant 199 : i32
    %dma_start3A_161 = arith.constant 0 : i32
    %dma_start3A_162 = arith.constant 0 : i32
    %dma_start3A_163 = arith.constant 0 : i32
    %dma_start3A_164 = tpu.memref_slice %arg4[%dma_start3A_160, %dma_start3A_161, %add3A, %dma_start3A_162, %dma_start3A_163] : memref<200x8x32x8x128xf32, #tpu.memory_space<hbm>> -> memref<1x8x1x8x128xf32, #tpu.memory_space<hbm>>
    %dma_start3A_165 = tpu.memref_squeeze %dma_start3A_164 : memref<1x8x1x8x128xf32, #tpu.memory_space<hbm>> -> memref<8x8x128xf32, #tpu.memory_space<hbm>>
    %dma_start3A_166 = arith.constant 0 : i32
    %dma_start3A_167 = arith.constant 0 : i32
    %dma_start3A_168 = arith.constant 0 : i32
    %dma_start3A_169 = tpu.memref_slice %arg4[%dma_start3A_160, %dma_start3A_166, %add3A, %dma_start3A_167, %dma_start3A_168] : memref<200x8x32x8x128xf32, #tpu.memory_space<hbm>> -> memref<1x8x1x8x128xf32, #tpu.memory_space<hbm>>
    %dma_start3A_170 = tpu.memref_squeeze %dma_start3A_169 : memref<1x8x1x8x128xf32, #tpu.memory_space<hbm>> -> memref<8x8x128xf32, #tpu.memory_space<hbm>>
    tpu.enqueue_dma source(%arg9 : memref<8x8x128xf32, #tpu.memory_space<vmem>>) target(%dma_start3A_170 : memref<8x8x128xf32, #tpu.memory_space<hbm>>) target_semaphore(%arg13 : memref<!tpu.dma_semaphore, #tpu.memory_space<semaphore_mem>>)
    %dma_wait3A_171 = arith.constant 198 : i32
    %dma_wait3A_172 = arith.constant 0 : i32
    %dma_wait3A_173 = arith.constant 0 : i32
    %dma_wait3A_174 = arith.constant 0 : i32
    %dma_wait3A_175 = tpu.memref_slice %arg4[%dma_wait3A_171, %dma_wait3A_172, %add3A, %dma_wait3A_173, %dma_wait3A_174] : memref<200x8x32x8x128xf32, #tpu.memory_space<hbm>> -> memref<1x8x1x8x128xf32, #tpu.memory_space<hbm>>
    %dma_wait3A_176 = tpu.memref_squeeze %dma_wait3A_175 : memref<1x8x1x8x128xf32, #tpu.memory_space<hbm>> -> memref<8x8x128xf32, #tpu.memory_space<hbm>>
    %dma_wait3A_177 = arith.constant 0 : i32
    %dma_wait3A_178 = arith.constant 0 : i32
    %dma_wait3A_179 = arith.constant 0 : i32
    %dma_wait3A_180 = tpu.memref_slice %arg4[%dma_wait3A_171, %dma_wait3A_177, %add3A, %dma_wait3A_178, %dma_wait3A_179] : memref<200x8x32x8x128xf32, #tpu.memory_space<hbm>> -> memref<1x8x1x8x128xf32, #tpu.memory_space<hbm>>
    %dma_wait3A_181 = tpu.memref_squeeze %dma_wait3A_180 : memref<1x8x1x8x128xf32, #tpu.memory_space<hbm>> -> memref<8x8x128xf32, #tpu.memory_space<hbm>>
    tpu.wait_dma2 semaphore(%arg12 : memref<!tpu.dma_semaphore, #tpu.memory_space<semaphore_mem>>) src(%arg8 : memref<8x8x128xf32, #tpu.memory_space<vmem>>) dst(%dma_wait3A_181 : memref<8x8x128xf32, #tpu.memory_space<hbm>>)
    %dma_wait3A_182 = arith.constant 199 : i32
    %dma_wait3A_183 = arith.constant 0 : i32
    %dma_wait3A_184 = arith.constant 0 : i32
    %dma_wait3A_185 = arith.constant 0 : i32
    %dma_wait3A_186 = tpu.memref_slice %arg4[%dma_wait3A_182, %dma_wait3A_183, %add3A, %dma_wait3A_184, %dma_wait3A_185] : memref<200x8x32x8x128xf32, #tpu.memory_space<hbm>> -> memref<1x8x1x8x128xf32, #tpu.memory_space<hbm>>
    %dma_wait3A_187 = tpu.memref_squeeze %dma_wait3A_186 : memref<1x8x1x8x128xf32, #tpu.memory_space<hbm>> -> memref<8x8x128xf32, #tpu.memory_space<hbm>>
    %dma_wait3A_188 = arith.constant 0 : i32
    %dma_wait3A_189 = arith.constant 0 : i32
    %dma_wait3A_190 = arith.constant 0 : i32
    %dma_wait3A_191 = tpu.memref_slice %arg4[%dma_wait3A_182, %dma_wait3A_188, %add3A, %dma_wait3A_189, %dma_wait3A_190] : memref<200x8x32x8x128xf32, #tpu.memory_space<hbm>> -> memref<1x8x1x8x128xf32, #tpu.memory_space<hbm>>
    %dma_wait3A_192 = tpu.memref_squeeze %dma_wait3A_191 : memref<1x8x1x8x128xf32, #tpu.memory_space<hbm>> -> memref<8x8x128xf32, #tpu.memory_space<hbm>>
    tpu.wait_dma2 semaphore(%arg13 : memref<!tpu.dma_semaphore, #tpu.memory_space<semaphore_mem>>) src(%arg9 : memref<8x8x128xf32, #tpu.memory_space<vmem>>) dst(%dma_wait3A_192 : memref<8x8x128xf32, #tpu.memory_space<hbm>>)
    return
  }
}

</mosaic_0001>

<sc_bundles>
// kernel: kernel.3.cloned.1.call-start
scs
__scs_entry_jumppad:
0x0: {  	(pc) =	sbr.rel $0x88, $3  }
0x1: {  	(tag) =	ssettag $0x0;
	lr =	simm.s32 $0x1  }
0x2: {  	[smem:$0x3F9F] =	sst lr;
	_ =	strace $0xD0000000  }
0x3: {  	_ = 	snop  }
0x4: {  	_ = 	snop  }
0x5: {  	_ = 	snop  }
0x6: {  	_ = 	snop  }
0x7: {  	_ = 	snop  }
__scs_overlays_trampoline_lowered:
0x8: {  	[smem:$0x3FAE] =	sst s0  }
0x9: {  	[smem:$0x3FAF] =	sst s1  }
0xa: {  	[smem:$0x3FB0] =	sst s2  }
0xb: {  	[smem:$0x3FB1] =	sst s3  }
0xc: {  	[smem:$0x3FB2] =	sst s4  }
0xd: {  	[smem:$0x3FB3] =	sst s5  }
0xe: {  	[smem:$0x3FB4] =	sst s6  }
0xf: {  	[smem:$0x3FB5] =	sst s7  }
0x10: {  	[smem:$0x3FB6] =	sst s8  }
0x11: {  	[smem:$0x3FB7] =	sst s9;
	s0 =	simm.s32 @!p0 $0x0  }
0x12: {  	s1 =	sld [smem:$0x3F9D];
	s0 =	simm.s32 @p0 $0x1  }
0x13: {  	[smem:$0x3FB8] =	sst s0;
	s0 =	simm.s32 @!p1 $0x0  }
0x14: {  	s2 =	sld [smem:$0x3F9C];
	s0 =	simm.s32 @p1 $0x1  }
0x15: {  	[smem:$0x3FB9] =	sst s0;
	s0 =	simm.s32 @!p2 $0x0  }
0x16: {  	s3 =	sld [smem:$0x3FDB];
	s0 =	simm.s32 @p2 $0x1  }
0x17: {  	s4 =	simm.s32 $0x1BF5;
	[smem:$0x3FBB] =	sst s0  }
0x18: {  	s0 =	sld [smem:$0x3F9E];
	_ =	swait.ge [sflag:s4], $0x0  }
0x19: {  	s7 =	sld [smem:$0x3F9F]  }
0x1a: {  	s8 =	sadd.s32 $0xFFFFE003, lr  }
0x1b: {  	s9 =	sadd.s32 $0xFFFFFEF7, lr;
	s5 =	simm.s32 $0xFFFFFFFF;
	p2 =	slt.u32 s8, $0xFFFFF086  }
0x1c: {  	p1 =	slt.u32 s9, $0xF7A;
	s5 =	simm.s32 @!p2 $0x0  }
0x1d: {  	s5 =	simm.s32 @p1 $0x1;
	p0 =	seq.s32 s7, s2  }
0x1e: {  	s7 =	smul.u32 @!p0 $0xF7A, s2;
	p2 =	seq.s32 @!p0 s5, $0x0  }
0x1f: {  	s9 =	smul.u32 $0xF7A, s1;
	s8 =	simm.s32 @!p0 $0x1BF5;
	p2 =	por !p2, p0  }
0x20: {  	[sflag:s8] =	ssyncset.s32 @!p0 $0xFFFFF086;
	s6 =	sadd.s32 @!p0 s3, s7;
	s7 =	simm.s32 @!p0 $0x108  }
0x21: {  	s3 =	sadd.s32 s3, s9;
	s6 =	sadd.s32 @!p0 $0x88, s6;
	s7 =	simm.s32 @p2 $0x1082  }
0x22: {  	[simem:s7], [sflag:s8] =	dma.local @!p0 [hbm:s6], $0xF7A  }
0x23: {  	s9 =	sor.u32 $0xD0000000, s2;
	s6 =	simm.s32 $0x108;
	_ =	swait.ge @!p0 [sflag:s8], $0x0  }
0x24: {  	s3 =	sadd.s32 $0x88, s3;
	s6 =	simm.s32 @!p1 $0x1082;
	[sflag:s4] =	ssyncset.s32 $0xFFFFF086  }
0x25: {  	[simem:s6], [sflag:s4] =	dma.local [hbm:s3], $0xF7A  }
0x26: {  	[smem:$0x3F9F] =	sst s1;
	(tag) =	ssettag s2;
	_ =	strace s9  }
0x27: {  	s1 =	sld [smem:$0x3FAF]  }
0x28: {  	s2 =	sld [smem:$0x3FB0]  }
0x29: {  	s4 =	sld [smem:$0x3FB2]  }
0x2a: {  	p0 =	seq.s32 s5, $0x0;
	s5 =	sld [smem:$0x3FB3]  }
0x2b: {  	s6 =	sld [smem:$0x3FB4]  }
0x2c: {  	s7 =	sld [smem:$0x3FB5]  }
0x2d: {  	s3 =	simm.s32 $0x108;
	s8 =	sld [smem:$0x3FB6]  }
0x2e: {  	s3 =	simm.s32 @!p0 $0x1082;
	s9 =	sld [smem:$0x3FB7]  }
0x2f: {  	lr =	sadd.s32 s0, s3;
	s0 =	sld [smem:$0x3FAE]  }
0x30: {  	s3 =	sld [smem:$0x3FB1]  }
0x31: {  	[smem:$0x3FBA] =	sst s10  }
0x32: {  	s10 =	sld [smem:$0x3FB8];
	_ =	sdelay $0x3  }
0x33: {  	p0 =	seq.s32 s10, $0x1;
	s10 =	sld [smem:$0x3FBA];
	_ =	sdelay $0x3  }
0x34: {  	[smem:$0x3FBA] =	sst s10  }
0x35: {  	s10 =	sld [smem:$0x3FB9];
	_ =	sdelay $0x3  }
0x36: {  	p1 =	seq.s32 s10, $0x1;
	s10 =	sld [smem:$0x3FBA];
	_ =	sdelay $0x3  }
0x37: {  	[smem:$0x3FBA] =	sst s10  }
0x38: {  	s10 =	sld [smem:$0x3FBB]  }
0x39: {  	_ = 	snop;
	(pc) =	sbr.ind lr, $3  }
0x3a: {  	_ = 	snop  }
0x3b: {  	_ = 	snop  }
0x3c: {  	p2 =	seq.s32 s10, $0x1;
	s10 =	sld [smem:$0x3FBA]  }
0x3d: {  	_ =	shalt  }
0x3e: {  	_ =	shalt  }
0x3f: {  	_ =	shalt  }
0x40: {  	_ =	shalt  }
0x41: {  	_ =	shalt  }
0x42: {  	_ =	shalt  }
0x43: {  	_ =	shalt  }
0x44: {  	_ =	shalt  }
0x45: {  	_ =	shalt  }
0x46: {  	_ =	shalt  }
0x47: {  	_ =	shalt  }
0x48: {  	_ =	shalt  }
0x49: {  	_ =	shalt  }
0x4a: {  	_ =	shalt  }
0x4b: {  	_ =	shalt  }
0x4c: {  	_ =	shalt  }
0x4d: {  	_ =	shalt  }
0x4e: {  	_ =	shalt  }
0x4f: {  	_ =	shalt  }
0x50: {  	_ =	shalt  }
0x51: {  	_ =	shalt  }
0x52: {  	_ =	shalt  }
0x53: {  	_ =	shalt  }
0x54: {  	_ =	shalt  }
0x55: {  	_ =	shalt  }
0x56: {  	_ =	shalt  }
0x57: {  	_ =	shalt  }
0x58: {  	_ =	shalt  }
0x59: {  	_ =	shalt  }
0x5a: {  	_ =	shalt  }
0x5b: {  	_ =	shalt  }
0x5c: {  	_ =	shalt  }
0x5d: {  	_ =	shalt  }
0x5e: {  	_ =	shalt  }
0x5f: {  	_ =	shalt  }
0x60: {  	_ =	shalt  }
0x61: {  	_ =	shalt  }
0x62: {  	_ =	shalt  }
0x63: {  	_ =	shalt  }
0x64: {  	_ =	shalt  }
0x65: {  	_ =	shalt  }
0x66: {  	_ =	shalt  }
0x67: {  	_ =	shalt  }
0x68: {  	_ =	shalt  }
0x69: {  	_ =	shalt  }
0x6a: {  	_ =	shalt  }
0x6b: {  	_ =	shalt  }
0x6c: {  	_ =	shalt  }
0x6d: {  	_ =	shalt  }
0x6e: {  	_ =	shalt  }
0x6f: {  	_ =	shalt  }
0x70: {  	_ =	shalt  }
0x71: {  	_ =	shalt  }
0x72: {  	_ =	shalt  }
0x73: {  	_ =	shalt  }
0x74: {  	_ =	shalt  }
0x75: {  	_ =	shalt  }
0x76: {  	_ =	shalt  }
0x77: {  	_ =	shalt  }
0x78: {  	_ =	shalt  }
0x79: {  	_ =	shalt  }
0x7a: {  	_ =	shalt  }
0x7b: {  	_ =	shalt  }
0x7c: {  	_ =	shalt  }
0x7d: {  	_ =	shalt  }
0x7e: {  	_ =	shalt  }
0x7f: {  	_ =	shalt  }
0x80: {  	_ =	shalt  }
0x81: {  	_ =	shalt  }
0x82: {  	_ =	shalt  }
0x83: {  	_ =	shalt  }
0x84: {  	_ =	shalt  }
0x85: {  	_ =	shalt  }
0x86: {  	_ =	shalt  }
0x87: {  	_ =	shalt  }
.Lfunc_end0:
.L_simem_size_0:
called_computation_lowered:
.L_overlay_start_0:
0x88: {  	s2 =	sld [smem:$0x3FD9]  }
0x89: {  	s3 =	sld [smem:$0x3FFE];
	_ =	sdelay $0x1  }
0x8a: {  	s1 =	srdreg.scid  }
0x8b: {  	s0 =	sand.u32 $0x1, s1  }
0x8c: {  	s17 =	sshll.u32 s0, $0xA;
	s2 =	sadd.s32 s3, s2  }
0x8d: {  	s2 =	sadd.s32 s2, s17  }
0x8e: {  	[smem:$0x3FC6] =	sst s2  }
0x8f: {  	_ = 	snop  }
0x90: {  	s2 =	sld [smem:$0x3FD0];
	(tm) =	ssettm $0x1  }
0x91: {  	s18 =	sld [smem:$0x3FFB];
	_ =	sdelay $0x3  }
0x92: {  	_ =	strace s18  }
0x93: {  	s3 =	sld [smem:$0x3FFC];
	_ =	sdelay $0x3  }
0x94: {  	_ =	strace s3  }
0x95: {  	s3 =	sld [smem:$0x3FFD];
	_ =	sdelay $0x3  }
0x96: {  	_ =	strace s3  }
0x97: {  	_ =	strace $0x8FFFFFFF  }
0x98: {  	s19 =	sld [smem:$0x3FDB];
	_ =	sdelay $0x1  }
0x99: {  	s4 =	simm.s32 $_scs_section_size  }
0x9a: {  	s5 =	simm.s32 $_size__tile_overlayer_lowered;
	s6 =	simm.s32 $_tile_overlayer_lowered  }
0x9b: {  	s22 =	simm.s32 $0x1BFF;
	s21 =	sshll.u32 s6, $0x1;
	s3 =	sadd.s32 s4, s19  }
0x9c: {  	s7 =	simm.s32 $0x0;
	s20 =	sshll.u32 s5, $0x1;
	s5 =	sadd.s32 s21, s3  }
0x9d: {  	[timem:s7], [sflag:s22] =	dma.local [hbm:s5], s20  }
0x9e: {  	_ =	swait.ge [sflag:s22], s20  }
0x9f: {  	s4 =	ssub.s32 $0x0, s20;
	[sflag:s22] =	ssyncset.done $0x0  }
0xa0: {  	[sflag:s22] =	ssyncadd.s32 s4;
	_ =	sdelay $0x1  }
0xa1: {  	s23 =	simm.s32 $0x1B8B  }
0xa2: {  	_ =	swait.ge [sflag:s23], $0x1  }
0xa3: {  	[sflag:s23] =	ssyncset.done $0x0  }
0xa4: {  	s25 =	simm.s32 $0x1B8E;
	s24 =	sld [smem:$0x3FFE];
	[sflag:s23] =	ssyncadd.s32 $0xFFFFFFFF  }
0xa5: {  	s26 =	simm.s32 $execute0_lowered;
	[smem:$0x3FD2] =	sst s25  }
0xa6: {  	s5 =	sshll.u32 s26, $0x1;
	_ =	strace $0x80000046;
	[dreg:$0x1] =	wrdreg $0xFFFFFFFF  }
0xa7: {  	s28 =	simm.s32 $_size_execute0_lowered;
	s3 =	sadd.s32 s3, s5;
	[dreg:$0x0] =	wrdreg $0x0  }
0xa8: {  	s5 =	sshll.u32 s28, $0x1;
	[dreg:$0x2] =	wrdreg s3  }
0xa9: {  	[dreg:$0x3] =	wrdreg s5  }
0xaa: {  	[dreg:$0x4] =	wrdreg $0xC0  }
0xab: {  	_ =	task [dreg:s7], $0x5FFFF  }
0xac: {  	[dreg:$0x1] =	wrdreg $0xFFFFFFFF  }
0xad: {  	[dreg:$0x0] =	wrdreg $0x60  }
0xae: {  	[dreg:$0x2] =	wrdreg s24  }
0xaf: {  	[dreg:$0x3] =	wrdreg s2  }
0xb0: {  	[dreg:$0x4] =	wrdreg $0x9  }
0xb1: {  	_ =	task.clear_ibuf [dreg:s7], $0x5FFFF;
	_ =	strace $0x90000046  }
0xb2: {  	s29 =	simm.s32 $0x9;
	_ =	strace $0x80000048  }
0xb3: {  	_ =	swait.ge [sflag:s29], $0x1  }
0xb4: {  	[sflag:s29] =	ssyncadd.s32 $0xFFFFFFFF  }
0xb5: {  	_ =	strace $0x90000048  }
0xb6: {  	_ =	sfence  }
0xb7: {  	s30 =	sld [smem:$0x0];
	_ =	sdelay $0x2  }
0xb8: {  	s31 =	sshll.u32 s1, $0xD;
	s1 =	sshrl.u32 s1, $0x2  }
0xb9: {  	s3 =	sand.u32 $0x4000, s31;
	s1 =	sadd.s32 s1, s30  }
0xba: {  	s0 =	sor.u32 s3, s0;
	s1 =	sshll.u32 s1, $0x11  }
0xbb: {  	s0 =	sor.u32 s1, s0  }
0xbc: {  	s0 =	sadd.s32 $0x8F2B, s0  }
0xbd: {  	[sflag:s0] =	ssyncadd.remote.s32 $0x1  }
0xbe: {  	_ =	sfence.sel $0xFFFF  }
0xbf: {  	[dreg:$0x0] =	wrdreg $0xFFFFFFFF;
	(pc) =	sbr.abs _section_cstart, $3  }
0xc0: {  	[dreg:$0x1] =	wrdreg $0xFFFFFFFF  }
0xc1: {  	_ =	task.clear_ibuf [dreg:s7], $0x2FFFF;
	_ =	strace $0x9FFFFFFF  }
0xc2: {  	(tm) =	ssettm $0x7FFFFFFF  }
0xc3: {  	_ =	shalt  }
tec
execute0_lowered:
.L_overlay_start_1:
0x0: {  	(tag) =	ssettag $0x1  }
0x1: {  	s0 =	rddreg [dreg:$0x0]  }
0x2: {  	s1 =	rddreg [dreg:$0x1];
	s3 =	simm.s32 $0x0;
	s2 =	srdreg.scid  }
0x3: {  	s4 =	stileid.u32;
	s14 =	simm.s32 $0x5;
	s15 =	simm.s32 $0x6400  }
0x4: {  	s16 =	simm.s32 $0x8400;
	s17 =	simm.s32 $0x1;
	s18 =	simm.s32 $0x400  }
0x5: {  	s19 =	simm.s32 $0x8000;
	s20 =	simm.s32 $0xA400;
	s28 =	simm.s32 $0x4  }
0x6: {  	s29 =	simm.s32 $0x0;
	s30 =	simm.s32 $0x0;
	[smem:$0x7FF] =	sst s3  }
0x7: {  	s2 =	sand.u32 $0x1, s2;
	s5 =	sshll.u32 s4, $0x1;
	s4 =	sadd.s32 $0x19600, s0  }
0x8: {  	_ =	strace $0x80000047;
	s6 =	sor.u32 s2, s5;
	s2 =	ssub.s32 $0x2, s2  }
0x9: {  	s5 =	sshll.u32 s6, $0x4;
	s7 =	sshrl.u32 s2, $0x1;
	s8 =	sshll.u32 s6, $0x7  }
0xa: {  	s23 =	sshll.u32 s6, $0xA;
	s0 =	sadd.s32 s5, s0;
	s22 =	sadd.s32 s1, s8  }
0xb: {  	v0 =	vlaneseq.u32;
	s2 =	ssub.s32 s2, s7;
	s0 =	sadd.s32 $0x600, s0;
	[dreg:$0x3] =	wrdreg s22  }
0xc: {  	v0 =	vmul.u32 $0x40, v0;
	s8 =	sor.u32 $0x80000, s23;
	s24 =	sadd.s32 $0x8000, s22;
	[dreg:$0x4] =	wrdreg s0  }
0xd: {  	s9 =	sor.u32 $0xC0000, s23;
	s25 =	sadd.s32 $0x630000, s22;
	[dreg:$0x5] =	wrdreg s24  }
0xe: {  	v1 =	vor.u32 $0x400, v0;
	s23 =	simm.s32 $0xC400;
	s26 =	sadd.s32 $0x638000, s22;
	[dreg:$0x6] =	wrdreg s25  }
0xf: {  	v2 =	vor.u32 $0x800, v0;
	v3 =	vor.u32 $0xC00, v0;
	v4 =	vor.u32 $0x1000, v0;
	s31 =	smax.u32 s2, $0x1;
	s22 =	simm.s32 $0x2;
	[dreg:$0x7] =	wrdreg s26  }
0x10: {  	v5 =	vor.u32 $0x1400, v0;
	v6 =	vor.u32 $0x1800, v0;
	v7 =	vor.u32 $0x1C00, v0;
	[dreg:$0x8] =	wrdreg s31;
	s24 =	simm.s32 $0x80;
	s26 =	simm.s32 $0x3  }
.LBB2_1:
0x11: {  	s0 =	rddreg [dreg:$0x4];
	s2 =	simm.s32 $0x1000  }
0x12: {  	[tilespmem:s3], [sflag:$0x5] =	stream.strided.gather [hbm4b:s0+s24], $0x6400, s2, s24, $0x38;
	[tilespmem:$0xE400] =	vst v63  }
0x13: {  	v8 =	vmov s3;
	_ =	swait.ge [sflag:s14], $0x6400  }
0x14: {  	v8 =	vand.u32 $0x3E, v8;
	[sflag:s14] =	ssyncset.done $0x0  }
0x15: {  	v8 =	vbroadcast v8, $0x0;
	[sflag:s14] =	ssyncadd.s32 $0xFFFF9C00  }
0x16: {  	[tilespmem:s15], [sflag:$0x1] =	stream.indirect.gather [hbm4b:s4+s24], $0x40, s3, s24, $0xb8;
	[tilespmem:$0xE400] =	vst v63  }
0x17: {  	v9 =	vor.u32 v0, v8  }
0x18: {  	v10 =	vor.u32 v6, v8;
	[tilespmem:s16], [sflag:$0x2] =	stream.indirect.gather [hbm4b:s4+s24], $0x40, s24, s24, $0xb8;
	[tilespmem:$0xE400] =	vst v63  }
0x19: {  	v11 =	vor.u32 v1, v8;
	_ =	swait.ge [sflag:s17], $0x2000  }
0x1a: {  	v12 =	vor.u32 v5, v8;
	[sflag:s17] =	ssyncset.done $0x0  }
0x1b: {  	v13 =	vor.u32 v4, v8;
	[sflag:s17] =	ssyncadd.s32 $0xFFFFE000  }
0x1c: {  	v14 =	vor.u32 v3, v8;
	v15 =	vld.idx.msk [tilespmem:v9+s15+$0x0], $0xffff  }
0x1d: {  	v16 =	vor.u32 v2, v8;
	v8 =	vor.u32 v7, v8;
	v17 =	vld.idx.msk [tilespmem:v10+s15+$0x0], $0xffff  }
0x1e: {  	v11 =	vld.idx.msk [tilespmem:v11+s15+$0x0], $0xffff  }
0x1f: {  	v18 =	vld.idx.msk [tilespmem:v12+s15+$0x0], $0xffff  }
0x20: {  	v19 =	vld.idx.msk [tilespmem:v13+s15+$0x0], $0xffff  }
0x21: {  	s25 =	simm.s32 $0x1;
	v9 =	vld.idx.msk [tilespmem:v14+s15+$0x0], $0xffff  }
0x22: {  	s2 =	simm.s32 $0xA440;
	v10 =	vld.idx.msk [tilespmem:v8+s15+$0x0], $0xffff;
	v8 =	vmov s25  }
0x23: {  	v12 =	vld.idx.msk [tilespmem:v16+s15+$0x0], $0xffff;
	v8 =	vand.u32 $0x3F, v8;
	[tilespmem:s2+$0xFFFFFFC0] =	vst v15  }
0x24: {  	v8 =	vbroadcast v8, $0x0;
	[tilespmem:s2+$0x10] =	vst v18  }
0x25: {  	[tilespmem:s2+$0x20] =	vst v17  }
0x26: {  	s31 =	simm.s32 $0x0;
	s6 =	simm.s32 $0x2;
	s7 =	simm.s32 $0x80;
	v13 =	vor.u32 v5, v8;
	[tilespmem:s2+$0xFFFFFFD0] =	vst v11  }
0x27: {  	s21 =	simm.s32 $0xA440;
	s13 =	simm.s32 $0x80;
	s0 =	sand.u32 $0x1C00, s31;
	v14 =	vor.u32 v7, v8;
	v11 =	vor.u32 v0, v8;
	[tilespmem:s2+$0x0] =	vst v19  }
.LBB2_2:
0x28: {  	p0 =	slt.u32 s6, $0x3E;
	[tilespmem:s2+$0xFFFFFFE0] =	vst v12;
	s7 =	sadd.s32 $0x100, s7;
	s21 =	sadd.s32 $0x100, s21  }
0x29: {  	s10 =	smov.u32 s6;
	s6 =	sadd.s32 $0x2, s6;
	s11 =	sadd.s32 $0xFFFFFF80, s7;
	[tilespmem:s2+$0xFFFFFFF0] =	vst v9;
	v9 =	vor.u32 v3, v8  }
0x2a: {  	s11 =	sand.u32 $0x1C00, s11;
	[tilespmem:s2+$0x30] =	vst v10;
	v10 =	vor.u32 v6, v8;
	s2 =	smov.u32 s21  }
0x2b: {  	v12 =	vor.u32 v1, v8;
	v13 =	vld.idx.msk [tilespmem:v13+s15+$0x0], $0xffff  }
0x2c: {  	v15 =	vor.u32 v2, v8;
	v14 =	vld.idx.msk [tilespmem:v14+s15+$0x0], $0xffff  }
0x2d: {  	v8 =	vor.u32 v4, v8;
	v11 =	vld.idx.msk [tilespmem:v11+s15+$0x0], $0xffff  }
0x2e: {  	v9 =	vld.idx.msk [tilespmem:v9+s15+$0x0], $0xffff  }
0x2f: {  	v10 =	vld.idx.msk [tilespmem:v10+s15+$0x0], $0xffff  }
0x30: {  	v12 =	vld.idx.msk [tilespmem:v12+s15+$0x0], $0xffff  }
0x31: {  	s25 =	sand.u32 $0x380, s13;
	s13 =	smov.u32 s7;
	v15 =	vld.idx.msk [tilespmem:v15+s15+$0x0], $0xffff  }
0x32: {  	v16 =	vmov s10;
	s25 =	sor.u32 s25, s0;
	s0 =	smov.u32 s11;
	v8 =	vld.idx.msk [tilespmem:v8+s15+$0x0], $0xffff  }
0x33: {  	v16 =	vand.u32 $0x3E, v16;
	[tilespmem:s25+$0xA400] =	vst v11  }
0x34: {  	v11 =	vbroadcast v16, $0x0;
	[tilespmem:s25+$0xA430] =	vst v9  }
0x35: {  	[tilespmem:s25+$0xA460] =	vst v10  }
0x36: {  	v9 =	vor.u32 v0, v11;
	v10 =	vor.u32 v1, v11;
	v16 =	vor.u32 v7, v11;
	[tilespmem:s25+$0xA410] =	vst v12  }
0x37: {  	v17 =	vor.u32 v3, v11;
	v18 =	vor.u32 v6, v11;
	v12 =	vor.u32 v2, v11;
	[tilespmem:s25+$0xA470] =	vst v14  }
0x38: {  	v14 =	vor.u32 v4, v11;
	v11 =	vor.u32 v5, v11;
	[tilespmem:s25+$0xA440] =	vst v8  }
0x39: {  	[tilespmem:s25+$0xA450] =	vst v13  }
0x3a: {  	[tilespmem:s25+$0xA420] =	vst v15  }
0x3b: {  	v8 =	vld.idx.msk [tilespmem:v9+s15+$0x0], $0xffff  }
0x3c: {  	v13 =	vld.idx.msk [tilespmem:v18+s15+$0x0], $0xffff  }
0x3d: {  	v15 =	vld.idx.msk [tilespmem:v10+s15+$0x0], $0xffff  }
0x3e: {  	v11 =	vld.idx.msk [tilespmem:v11+s15+$0x0], $0xffff  }
0x3f: {  	v14 =	vld.idx.msk [tilespmem:v14+s15+$0x0], $0xffff  }
0x40: {  	v9 =	vld.idx.msk [tilespmem:v17+s15+$0x0], $0xffff  }
0x41: {  	s10 =	sadd.s32 $0x1, s10;
	v12 =	vld.idx.msk [tilespmem:v12+s15+$0x0], $0xffff  }
0x42: {  	v10 =	vld.idx.msk [tilespmem:v16+s15+$0x0], $0xffff;
	v16 =	vmov s10  }
.Ltmp0:
0x43: {  	[tilespmem:s21+$0xFFFFFFC0] =	vst v8;
	v8 =	vand.u32 $0x3F, v16;
	(pc) =	sbr.rel @p0 .LBB2_2-.Ltmp0, $4  }
0x44: {  	[tilespmem:s21+$0x10] =	vst v11;
	v8 =	vbroadcast v8, $0x0  }
0x45: {  	[tilespmem:s21+$0x20] =	vst v13  }
0x46: {  	[tilespmem:s21+$0xFFFFFFD0] =	vst v15;
	v11 =	vor.u32 v0, v8;
	v13 =	vor.u32 v5, v8  }
0x47: {  	[tilespmem:s21+$0x0] =	vst v14;
	v14 =	vor.u32 v7, v8  }
0x48: {  	_ = 	snop  }
0x49: {  	[tilespmem:s2+$0xFFFFFFE0] =	vst v12  }
0x4a: {  	[tilespmem:s2+$0xFFFFFFF0] =	vst v9;
	v9 =	vor.u32 v3, v8  }
0x4b: {  	[tilespmem:s2+$0x30] =	vst v10;
	v10 =	vor.u32 v6, v8  }
0x4c: {  	v12 =	vor.u32 v1, v8;
	v13 =	vld.idx.msk [tilespmem:v13+s15+$0x0], $0xffff  }
0x4d: {  	v15 =	vor.u32 v2, v8;
	v14 =	vld.idx.msk [tilespmem:v14+s15+$0x0], $0xffff  }
0x4e: {  	v8 =	vor.u32 v4, v8;
	v11 =	vld.idx.msk [tilespmem:v11+s15+$0x0], $0xffff  }
0x4f: {  	v9 =	vld.idx.msk [tilespmem:v9+s15+$0x0], $0xffff  }
0x50: {  	v10 =	vld.idx.msk [tilespmem:v10+s15+$0x0], $0xffff  }
0x51: {  	s11 =	sand.u32 $0x380, s13;
	v12 =	vld.idx.msk [tilespmem:v12+s15+$0x0], $0xffff  }
0x52: {  	s0 =	sor.u32 s11, s0;
	v15 =	vld.idx.msk [tilespmem:v15+s15+$0x0], $0xffff  }
0x53: {  	v8 =	vld.idx.msk [tilespmem:v8+s15+$0x0], $0xffff;
	[tilespmem:s0+$0xA400] =	vst v11  }
0x54: {  	[tilespmem:s0+$0xA470] =	vst v14  }
0x55: {  	[tilespmem:s0+$0xA450] =	vst v13  }
0x56: {  	[tilespmem:s0+$0xA430] =	vst v9  }
0x57: {  	s12 =	simm.s32 $0x0;
	[tilespmem:s0+$0xA460] =	vst v10  }
0x58: {  	[tilespmem:s0+$0xA440] =	vst v8;
	v8 =	vmov s12  }
0x59: {  	[tilespmem:s0+$0xA410] =	vst v12;
	v8 =	vand.u32 $0x3E, v8  }
0x5a: {  	s13 =	rddreg [dreg:$0x3];
	[tilespmem:s0+$0xA420] =	vst v15;
	v8 =	vbroadcast v8, $0x0  }
0x5b: {  	[hbm4b:s13+s18] =	stream.strided.scatter [tilespmem:s20], [sflag:$0x3], $0x2000, s19, s18, $0x38;
	[tilespmem:$0xE400] =	vst v63  }
0x5c: {  	s21 =	simm.s32 $0x100;
	s0 =	simm.s32 $0x80;
	v9 =	vor.u32 v0, v8  }
0x5d: {  	[tilespmem:s15], [sflag:$0x1] =	stream.indirect.gather [hbm4b:s4+s0], $0x40, s21, s0, $0xb8;
	v10 =	vor.u32 v6, v8;
	[tilespmem:$0xE400] =	vst v63  }
0x5e: {  	_ =	swait.ge [sflag:s22], $0x2000;
	v11 =	vor.u32 v1, v8  }
0x5f: {  	v12 =	vor.u32 v5, v8;
	[sflag:s22] =	ssyncset.done $0x0  }
0x60: {  	v13 =	vor.u32 v4, v8;
	[sflag:s22] =	ssyncadd.s32 $0xFFFFE000  }
0x61: {  	v14 =	vor.u32 v3, v8;
	v15 =	vld.idx.msk [tilespmem:v9+s16+$0x0], $0xffff  }
0x62: {  	v16 =	vor.u32 v2, v8;
	v8 =	vor.u32 v7, v8;
	v17 =	vld.idx.msk [tilespmem:v10+s16+$0x0], $0xffff  }
0x63: {  	v11 =	vld.idx.msk [tilespmem:v11+s16+$0x0], $0xffff  }
0x64: {  	v18 =	vld.idx.msk [tilespmem:v12+s16+$0x0], $0xffff  }
0x65: {  	v19 =	vld.idx.msk [tilespmem:v13+s16+$0x0], $0xffff  }
0x66: {  	s25 =	simm.s32 $0x1;
	v9 =	vld.idx.msk [tilespmem:v14+s16+$0x0], $0xffff  }
0x67: {  	s13 =	simm.s32 $0xC440;
	v10 =	vld.idx.msk [tilespmem:v8+s16+$0x0], $0xffff;
	v8 =	vmov s25  }
0x68: {  	v12 =	vld.idx.msk [tilespmem:v16+s16+$0x0], $0xffff;
	v8 =	vand.u32 $0x3F, v8;
	[tilespmem:s13+$0xFFFFFFC0] =	vst v15  }
0x69: {  	v8 =	vbroadcast v8, $0x0;
	[tilespmem:s13+$0x10] =	vst v18  }
0x6a: {  	[tilespmem:s13+$0x20] =	vst v17  }
0x6b: {  	s31 =	simm.s32 $0x0;
	s6 =	simm.s32 $0x2;
	v13 =	vor.u32 v5, v8;
	[tilespmem:s13+$0xFFFFFFD0] =	vst v11  }
0x6c: {  	s7 =	simm.s32 $0xC440;
	s2 =	sand.u32 $0x1C00, s31;
	s21 =	simm.s32 $0x80;
	v14 =	vor.u32 v7, v8;
	v11 =	vor.u32 v0, v8;
	[tilespmem:s13+$0x0] =	vst v19  }
.LBB2_4:
0x6d: {  	p0 =	slt.u32 s6, $0x3E;
	[tilespmem:s13+$0xFFFFFFE0] =	vst v12;
	s0 =	sadd.s32 $0x100, s0;
	s7 =	sadd.s32 $0x100, s7  }
0x6e: {  	s10 =	smov.u32 s6;
	s6 =	sadd.s32 $0x2, s6;
	s11 =	sadd.s32 $0xFFFFFF80, s0;
	[tilespmem:s13+$0xFFFFFFF0] =	vst v9;
	v9 =	vor.u32 v3, v8  }
0x6f: {  	s11 =	sand.u32 $0x1C00, s11;
	[tilespmem:s13+$0x30] =	vst v10;
	v10 =	vor.u32 v6, v8;
	s13 =	smov.u32 s7  }
0x70: {  	v12 =	vor.u32 v1, v8;
	v13 =	vld.idx.msk [tilespmem:v13+s16+$0x0], $0xffff  }
0x71: {  	v15 =	vor.u32 v2, v8;
	v14 =	vld.idx.msk [tilespmem:v14+s16+$0x0], $0xffff  }
0x72: {  	v8 =	vor.u32 v4, v8;
	v11 =	vld.idx.msk [tilespmem:v11+s16+$0x0], $0xffff  }
0x73: {  	v9 =	vld.idx.msk [tilespmem:v9+s16+$0x0], $0xffff  }
0x74: {  	v10 =	vld.idx.msk [tilespmem:v10+s16+$0x0], $0xffff  }
0x75: {  	v12 =	vld.idx.msk [tilespmem:v12+s16+$0x0], $0xffff  }
0x76: {  	s25 =	sand.u32 $0x380, s21;
	s21 =	smov.u32 s0;
	v15 =	vld.idx.msk [tilespmem:v15+s16+$0x0], $0xffff  }
0x77: {  	v16 =	vmov s10;
	s25 =	sor.u32 s25, s2;
	s2 =	smov.u32 s11;
	v8 =	vld.idx.msk [tilespmem:v8+s16+$0x0], $0xffff  }
0x78: {  	v16 =	vand.u32 $0x3E, v16;
	[tilespmem:s25+$0xC400] =	vst v11  }
0x79: {  	v11 =	vbroadcast v16, $0x0;
	[tilespmem:s25+$0xC430] =	vst v9  }
0x7a: {  	[tilespmem:s25+$0xC460] =	vst v10  }
0x7b: {  	v9 =	vor.u32 v0, v11;
	v10 =	vor.u32 v1, v11;
	v16 =	vor.u32 v7, v11;
	[tilespmem:s25+$0xC410] =	vst v12  }
0x7c: {  	v17 =	vor.u32 v3, v11;
	v18 =	vor.u32 v6, v11;
	v12 =	vor.u32 v2, v11;
	[tilespmem:s25+$0xC470] =	vst v14  }
0x7d: {  	v14 =	vor.u32 v4, v11;
	v11 =	vor.u32 v5, v11;
	[tilespmem:s25+$0xC440] =	vst v8  }
0x7e: {  	[tilespmem:s25+$0xC450] =	vst v13  }
0x7f: {  	[tilespmem:s25+$0xC420] =	vst v15  }
0x80: {  	v8 =	vld.idx.msk [tilespmem:v9+s16+$0x0], $0xffff  }
0x81: {  	v13 =	vld.idx.msk [tilespmem:v18+s16+$0x0], $0xffff  }
0x82: {  	v15 =	vld.idx.msk [tilespmem:v10+s16+$0x0], $0xffff  }
0x83: {  	v11 =	vld.idx.msk [tilespmem:v11+s16+$0x0], $0xffff  }
0x84: {  	v14 =	vld.idx.msk [tilespmem:v14+s16+$0x0], $0xffff  }
0x85: {  	v9 =	vld.idx.msk [tilespmem:v17+s16+$0x0], $0xffff  }
0x86: {  	s10 =	sadd.s32 $0x1, s10;
	v12 =	vld.idx.msk [tilespmem:v12+s16+$0x0], $0xffff  }
0x87: {  	v10 =	vld.idx.msk [tilespmem:v16+s16+$0x0], $0xffff;
	v16 =	vmov s10  }
.Ltmp1:
0x88: {  	[tilespmem:s7+$0xFFFFFFC0] =	vst v8;
	v8 =	vand.u32 $0x3F, v16;
	(pc) =	sbr.rel @p0 .LBB2_4-.Ltmp1, $4  }
0x89: {  	[tilespmem:s7+$0x10] =	vst v11;
	v8 =	vbroadcast v8, $0x0  }
0x8a: {  	[tilespmem:s7+$0x20] =	vst v13  }
0x8b: {  	[tilespmem:s7+$0xFFFFFFD0] =	vst v15;
	v11 =	vor.u32 v0, v8;
	v13 =	vor.u32 v5, v8  }
0x8c: {  	[tilespmem:s7+$0x0] =	vst v14;
	v14 =	vor.u32 v7, v8  }
0x8d: {  	_ = 	snop  }
0x8e: {  	[tilespmem:s13+$0xFFFFFFE0] =	vst v12  }
0x8f: {  	[tilespmem:s13+$0xFFFFFFF0] =	vst v9;
	v61 =	vor.u32 v3, v8  }
0x90: {  	[tilespmem:s13+$0x30] =	vst v10;
	v62 =	vor.u32 v6, v8  }
0x91: {  	v63 =	vor.u32 v1, v8;
	v13 =	vld.idx.msk [tilespmem:v13+s16+$0x0], $0xffff  }
0x92: {  	v15 =	vor.u32 v2, v8;
	v14 =	vld.idx.msk [tilespmem:v14+s16+$0x0], $0xffff  }
0x93: {  	v8 =	vor.u32 v4, v8;
	v11 =	vld.idx.msk [tilespmem:v11+s16+$0x0], $0xffff  }
0x94: {  	v9 =	vld.idx.msk [tilespmem:v61+s16+$0x0], $0xffff  }
0x95: {  	v10 =	vld.idx.msk [tilespmem:v62+s16+$0x0], $0xffff  }
0x96: {  	s0 =	sand.u32 $0x380, s21;
	v12 =	vld.idx.msk [tilespmem:v63+s16+$0x0], $0xffff  }
0x97: {  	s0 =	sor.u32 s0, s2;
	v15 =	vld.idx.msk [tilespmem:v15+s16+$0x0], $0xffff  }
0x98: {  	v8 =	vld.idx.msk [tilespmem:v8+s16+$0x0], $0xffff;
	[tilespmem:s0+$0xC400] =	vst v11  }
0x99: {  	[tilespmem:s0+$0xC470] =	vst v14  }
0x9a: {  	[tilespmem:s0+$0xC450] =	vst v13  }
0x9b: {  	[tilespmem:s0+$0xC430] =	vst v9  }
0x9c: {  	[tilespmem:s0+$0xC460] =	vst v10  }
0x9d: {  	[tilespmem:s0+$0xC410] =	vst v12  }
0x9e: {  	[tilespmem:s0+$0xC440] =	vst v8  }
0x9f: {  	s21 =	rddreg [dreg:$0x5];
	[tilespmem:s0+$0xC420] =	vst v15  }
0xa0: {  	[hbm4b:s21+s18] =	stream.strided.scatter [tilespmem:s23], [sflag:$0x4], $0x2000, s19, s18, $0x38;
	[tilespmem:$0xE400] =	vst v63  }
0xa1: {  	s25 =	simm.s32 $0x180;
	s31 =	simm.s32 $0x0  }
0xa2: {  	[tilespmem:s16], [sflag:$0x2] =	stream.indirect.gather [hbm4b:s4+s24], $0x40, s25, s24, $0xb8;
	[tilespmem:$0xE400] =	vst v63  }
.LBB2_6:
0xa3: {  	v8 =	vmov s30  }
0xa4: {  	v8 =	vand.u32 $0x3E, v8  }
0xa5: {  	v8 =	vbroadcast v8, $0x0  }
0xa6: {  	_ =	swait.ge [sflag:s26], $0x2000  }
0xa7: {  	[sflag:s26] =	ssyncset.done $0x0;
	v9 =	vor.u32 v0, v8  }
0xa8: {  	[sflag:s26] =	ssyncadd.s32 $0xFFFFE000;
	v10 =	vor.u32 v6, v8  }
0xa9: {  	_ =	swait.ge [sflag:s17], $0x2000;
	v11 =	vor.u32 v1, v8  }
0xaa: {  	[sflag:s17] =	ssyncset.done $0x0;
	v12 =	vor.u32 v5, v8  }
0xab: {  	v13 =	vor.u32 v4, v8;
	[sflag:s17] =	ssyncadd.s32 $0xFFFFE000  }
0xac: {  	v14 =	vor.u32 v3, v8;
	v15 =	vld.idx.msk [tilespmem:v9+s15+$0x0], $0xffff  }
0xad: {  	v16 =	vor.u32 v2, v8;
	v8 =	vor.u32 v7, v8;
	v17 =	vld.idx.msk [tilespmem:v10+s15+$0x0], $0xffff  }
0xae: {  	v18 =	vld.idx.msk [tilespmem:v11+s15+$0x0], $0xffff  }
0xaf: {  	v12 =	vld.idx.msk [tilespmem:v12+s15+$0x0], $0xffff  }
0xb0: {  	v19 =	vld.idx.msk [tilespmem:v13+s15+$0x0], $0xffff  }
0xb1: {  	s2 =	simm.s32 $0x1;
	v9 =	vld.idx.msk [tilespmem:v14+s15+$0x0], $0xffff  }
0xb2: {  	s13 =	simm.s32 $0xA440;
	v10 =	vld.idx.msk [tilespmem:v8+s15+$0x0], $0xffff;
	v8 =	vmov s2  }
0xb3: {  	v11 =	vld.idx.msk [tilespmem:v16+s15+$0x0], $0xffff;
	v8 =	vand.u32 $0x3F, v8;
	[tilespmem:s13+$0xFFFFFFC0] =	vst v15  }
0xb4: {  	s0 =	sshll.u32 s31, $0x13;
	v8 =	vbroadcast v8, $0x0;
	[tilespmem:s13+$0x10] =	vst v12  }
0xb5: {  	s10 =	simm.s32 $0x0;
	s7 =	simm.s32 $0x2;
	s6 =	sadd.s32 s8, s0;
	[tilespmem:s13+$0x20] =	vst v17  }
0xb6: {  	s21 =	sand.u32 $0x1C00, s10;
	s10 =	simm.s32 $0xA440;
	s25 =	sshrl.u32 s6, $0x3;
	v13 =	vor.u32 v5, v8;
	[tilespmem:s13+$0xFFFFFFD0] =	vst v18  }
0xb7: {  	s6 =	simm.s32 $0x80;
	s2 =	sadd.s32 s1, s25;
	s25 =	simm.s32 $0x80;
	v14 =	vor.u32 v7, v8;
	v12 =	vor.u32 v0, v8;
	[tilespmem:s13+$0x0] =	vst v19  }
.LBB2_7:
0xb8: {  	p0 =	slt.u32 s7, $0x3E;
	[tilespmem:s13+$0xFFFFFFE0] =	vst v11;
	s6 =	sadd.s32 $0x100, s6;
	s10 =	sadd.s32 $0x100, s10  }
0xb9: {  	s11 =	smov.u32 s7;
	s7 =	sadd.s32 $0x2, s7;
	s12 =	sadd.s32 $0xFFFFFF80, s6;
	[tilespmem:s13+$0xFFFFFFF0] =	vst v9;
	v9 =	vor.u32 v3, v8  }
0xba: {  	s12 =	sand.u32 $0x1C00, s12;
	[tilespmem:s13+$0x30] =	vst v10;
	v10 =	vor.u32 v6, v8;
	s13 =	smov.u32 s10  }
0xbb: {  	v11 =	vor.u32 v1, v8;
	v13 =	vld.idx.msk [tilespmem:v13+s15+$0x0], $0xffff  }
0xbc: {  	v15 =	vor.u32 v2, v8;
	v14 =	vld.idx.msk [tilespmem:v14+s15+$0x0], $0xffff  }
0xbd: {  	v8 =	vor.u32 v4, v8;
	v12 =	vld.idx.msk [tilespmem:v12+s15+$0x0], $0xffff  }
0xbe: {  	v9 =	vld.idx.msk [tilespmem:v9+s15+$0x0], $0xffff  }
0xbf: {  	v10 =	vld.idx.msk [tilespmem:v10+s15+$0x0], $0xffff  }
0xc0: {  	v11 =	vld.idx.msk [tilespmem:v11+s15+$0x0], $0xffff  }
0xc1: {  	s5 =	sand.u32 $0x380, s25;
	s25 =	smov.u32 s6;
	v15 =	vld.idx.msk [tilespmem:v15+s15+$0x0], $0xffff  }
0xc2: {  	v16 =	vmov s11;
	s5 =	sor.u32 s5, s21;
	s21 =	smov.u32 s12;
	v8 =	vld.idx.msk [tilespmem:v8+s15+$0x0], $0xffff  }
0xc3: {  	v16 =	vand.u32 $0x3E, v16;
	[tilespmem:s5+$0xA400] =	vst v12  }
0xc4: {  	v12 =	vbroadcast v16, $0x0;
	[tilespmem:s5+$0xA430] =	vst v9  }
0xc5: {  	[tilespmem:s5+$0xA460] =	vst v10  }
0xc6: {  	v9 =	vor.u32 v0, v12;
	v10 =	vor.u32 v1, v12;
	v16 =	vor.u32 v7, v12;
	[tilespmem:s5+$0xA410] =	vst v11  }
0xc7: {  	v17 =	vor.u32 v3, v12;
	v18 =	vor.u32 v6, v12;
	v11 =	vor.u32 v2, v12;
	[tilespmem:s5+$0xA470] =	vst v14  }
0xc8: {  	v14 =	vor.u32 v4, v12;
	v12 =	vor.u32 v5, v12;
	[tilespmem:s5+$0xA440] =	vst v8  }
0xc9: {  	[tilespmem:s5+$0xA450] =	vst v13  }
0xca: {  	[tilespmem:s5+$0xA420] =	vst v15  }
0xcb: {  	v8 =	vld.idx.msk [tilespmem:v9+s15+$0x0], $0xffff  }
0xcc: {  	v13 =	vld.idx.msk [tilespmem:v18+s15+$0x0], $0xffff  }
0xcd: {  	v15 =	vld.idx.msk [tilespmem:v10+s15+$0x0], $0xffff  }
0xce: {  	v12 =	vld.idx.msk [tilespmem:v12+s15+$0x0], $0xffff  }
0xcf: {  	v14 =	vld.idx.msk [tilespmem:v14+s15+$0x0], $0xffff  }
0xd0: {  	v9 =	vld.idx.msk [tilespmem:v17+s15+$0x0], $0xffff  }
0xd1: {  	s5 =	sadd.s32 $0x1, s11;
	v11 =	vld.idx.msk [tilespmem:v11+s15+$0x0], $0xffff  }
0xd2: {  	v10 =	vld.idx.msk [tilespmem:v16+s15+$0x0], $0xffff;
	v16 =	vmov s5  }
.Ltmp2:
0xd3: {  	[tilespmem:s10+$0xFFFFFFC0] =	vst v8;
	v8 =	vand.u32 $0x3F, v16;
	(pc) =	sbr.rel @p0 .LBB2_7-.Ltmp2, $4  }
0xd4: {  	[tilespmem:s10+$0x10] =	vst v12;
	v8 =	vbroadcast v8, $0x0  }
0xd5: {  	[tilespmem:s10+$0x20] =	vst v13  }
0xd6: {  	[tilespmem:s10+$0xFFFFFFD0] =	vst v15;
	v12 =	vor.u32 v0, v8;
	v13 =	vor.u32 v5, v8  }
0xd7: {  	[tilespmem:s10+$0x0] =	vst v14;
	v14 =	vor.u32 v7, v8  }
0xd8: {  	_ = 	snop  }
0xd9: {  	[tilespmem:s13+$0xFFFFFFE0] =	vst v11  }
0xda: {  	[tilespmem:s13+$0xFFFFFFF0] =	vst v9;
	v9 =	vor.u32 v3, v8  }
0xdb: {  	[tilespmem:s13+$0x30] =	vst v10;
	v10 =	vor.u32 v6, v8  }
0xdc: {  	v11 =	vor.u32 v1, v8;
	v13 =	vld.idx.msk [tilespmem:v13+s15+$0x0], $0xffff  }
0xdd: {  	v15 =	vor.u32 v2, v8;
	v14 =	vld.idx.msk [tilespmem:v14+s15+$0x0], $0xffff  }
0xde: {  	v8 =	vor.u32 v4, v8;
	v12 =	vld.idx.msk [tilespmem:v12+s15+$0x0], $0xffff  }
0xdf: {  	v9 =	vld.idx.msk [tilespmem:v9+s15+$0x0], $0xffff  }
0xe0: {  	v10 =	vld.idx.msk [tilespmem:v10+s15+$0x0], $0xffff  }
0xe1: {  	s5 =	sand.u32 $0x380, s25;
	v11 =	vld.idx.msk [tilespmem:v11+s15+$0x0], $0xffff  }
0xe2: {  	s5 =	sor.u32 s5, s21;
	v15 =	vld.idx.msk [tilespmem:v15+s15+$0x0], $0xffff  }
0xe3: {  	v8 =	vld.idx.msk [tilespmem:v8+s15+$0x0], $0xffff;
	[tilespmem:s5+$0xA400] =	vst v12  }
0xe4: {  	[tilespmem:s5+$0xA470] =	vst v14  }
0xe5: {  	[tilespmem:s5+$0xA450] =	vst v13  }
0xe6: {  	[tilespmem:s5+$0xA430] =	vst v9  }
0xe7: {  	[tilespmem:s5+$0xA460] =	vst v10  }
0xe8: {  	[tilespmem:s5+$0xA410] =	vst v11  }
0xe9: {  	[tilespmem:s5+$0xA440] =	vst v8  }
0xea: {  	s7 =	sshll.u32 s31, $0x8;
	s10 =	simm.s32 $0x0;
	[tilespmem:s5+$0xA420] =	vst v15  }
0xeb: {  	[hbm4b:s2+s18] =	stream.strided.scatter [tilespmem:s20], [sflag:$0x3], $0x2000, s19, s18, $0x38;
	[tilespmem:$0xE400] =	vst v63  }
0xec: {  	v8 =	vmov s10;
	s2 =	sand.u32 $0x3FFFFF00, s7  }
0xed: {  	s13 =	simm.s32 $0x80;
	v8 =	vand.u32 $0x3E, v8;
	s11 =	sadd.s32 $0x200, s2  }
0xee: {  	v8 =	vbroadcast v8, $0x0;
	[tilespmem:s15], [sflag:$0x1] =	stream.indirect.gather [hbm4b:s4+s13], $0x40, s11, s13, $0xb8;
	[tilespmem:$0xE400] =	vst v63  }
0xef: {  	_ =	swait.ge [sflag:s28], $0x2000  }
0xf0: {  	v9 =	vor.u32 v0, v8;
	[sflag:s28] =	ssyncset.done $0x0  }
0xf1: {  	v10 =	vor.u32 v6, v8;
	[sflag:s28] =	ssyncadd.s32 $0xFFFFE000  }
0xf2: {  	v11 =	vor.u32 v1, v8;
	_ =	swait.ge [sflag:s22], $0x2000  }
0xf3: {  	v12 =	vor.u32 v5, v8;
	[sflag:s22] =	ssyncset.done $0x0  }
0xf4: {  	v13 =	vor.u32 v4, v8;
	[sflag:s22] =	ssyncadd.s32 $0xFFFFE000  }
0xf5: {  	v14 =	vor.u32 v3, v8;
	v15 =	vld.idx.msk [tilespmem:v9+s16+$0x0], $0xffff  }
0xf6: {  	v16 =	vor.u32 v2, v8;
	v8 =	vor.u32 v7, v8;
	v17 =	vld.idx.msk [tilespmem:v10+s16+$0x0], $0xffff  }
0xf7: {  	v18 =	vld.idx.msk [tilespmem:v11+s16+$0x0], $0xffff  }
0xf8: {  	v12 =	vld.idx.msk [tilespmem:v12+s16+$0x0], $0xffff  }
0xf9: {  	v19 =	vld.idx.msk [tilespmem:v13+s16+$0x0], $0xffff  }
0xfa: {  	s12 =	simm.s32 $0x1;
	v9 =	vld.idx.msk [tilespmem:v14+s16+$0x0], $0xffff  }
0xfb: {  	s21 =	simm.s32 $0xC440;
	v10 =	vld.idx.msk [tilespmem:v8+s16+$0x0], $0xffff;
	v8 =	vmov s12  }
0xfc: {  	v11 =	vld.idx.msk [tilespmem:v16+s16+$0x0], $0xffff;
	v8 =	vand.u32 $0x3F, v8;
	[tilespmem:s21+$0xFFFFFFC0] =	vst v15  }
0xfd: {  	v8 =	vbroadcast v8, $0x0;
	[tilespmem:s21+$0x10] =	vst v12  }
0xfe: {  	s0 =	sadd.s32 s9, s0;
	s25 =	simm.s32 $0x0;
	[tilespmem:s21+$0x20] =	vst v17  }
0xff: {  	s6 =	simm.s32 $0x80;
	s0 =	sshrl.u32 s0, $0x3;
	s25 =	sand.u32 $0x1C00, s25;
	v13 =	vor.u32 v5, v8;
	[tilespmem:s21+$0xFFFFFFD0] =	vst v18  }
0x100: {  	s0 =	sadd.s32 s1, s0;
	s10 =	simm.s32 $0xC440;
	s7 =	simm.s32 $0x2;
	v14 =	vor.u32 v7, v8;
	v12 =	vor.u32 v0, v8;
	[tilespmem:s21+$0x0] =	vst v19  }
.LBB2_9:
0x101: {  	p0 =	slt.u32 s7, $0x3E;
	[tilespmem:s21+$0xFFFFFFE0] =	vst v11;
	s13 =	sadd.s32 $0x100, s13;
	s10 =	sadd.s32 $0x100, s10  }
0x102: {  	s11 =	smov.u32 s7;
	s7 =	sadd.s32 $0x2, s7;
	s5 =	sadd.s32 $0xFFFFFF80, s13;
	[tilespmem:s21+$0xFFFFFFF0] =	vst v9;
	v9 =	vor.u32 v3, v8  }
0x103: {  	s5 =	sand.u32 $0x1C00, s5;
	[tilespmem:s21+$0x30] =	vst v10;
	v10 =	vor.u32 v6, v8;
	s21 =	smov.u32 s10  }
0x104: {  	v11 =	vor.u32 v1, v8;
	v13 =	vld.idx.msk [tilespmem:v13+s16+$0x0], $0xffff  }
0x105: {  	v15 =	vor.u32 v2, v8;
	v14 =	vld.idx.msk [tilespmem:v14+s16+$0x0], $0xffff  }
0x106: {  	v8 =	vor.u32 v4, v8;
	v12 =	vld.idx.msk [tilespmem:v12+s16+$0x0], $0xffff  }
0x107: {  	v9 =	vld.idx.msk [tilespmem:v9+s16+$0x0], $0xffff  }
0x108: {  	v10 =	vld.idx.msk [tilespmem:v10+s16+$0x0], $0xffff  }
0x109: {  	v11 =	vld.idx.msk [tilespmem:v11+s16+$0x0], $0xffff  }
0x10a: {  	s12 =	sand.u32 $0x380, s6;
	s6 =	smov.u32 s13;
	v15 =	vld.idx.msk [tilespmem:v15+s16+$0x0], $0xffff  }
0x10b: {  	v16 =	vmov s11;
	s12 =	sor.u32 s12, s25;
	s25 =	smov.u32 s5;
	v8 =	vld.idx.msk [tilespmem:v8+s16+$0x0], $0xffff  }
0x10c: {  	v16 =	vand.u32 $0x3E, v16;
	[tilespmem:s12+$0xC400] =	vst v12  }
0x10d: {  	v12 =	vbroadcast v16, $0x0;
	[tilespmem:s12+$0xC430] =	vst v9  }
0x10e: {  	[tilespmem:s12+$0xC460] =	vst v10  }
0x10f: {  	v9 =	vor.u32 v0, v12;
	v10 =	vor.u32 v1, v12;
	v16 =	vor.u32 v7, v12;
	[tilespmem:s12+$0xC410] =	vst v11  }
0x110: {  	v17 =	vor.u32 v3, v12;
	v18 =	vor.u32 v6, v12;
	v11 =	vor.u32 v2, v12;
	[tilespmem:s12+$0xC470] =	vst v14  }
0x111: {  	v14 =	vor.u32 v4, v12;
	v12 =	vor.u32 v5, v12;
	[tilespmem:s12+$0xC440] =	vst v8  }
0x112: {  	[tilespmem:s12+$0xC450] =	vst v13  }
0x113: {  	[tilespmem:s12+$0xC420] =	vst v15  }
0x114: {  	v8 =	vld.idx.msk [tilespmem:v9+s16+$0x0], $0xffff  }
0x115: {  	v13 =	vld.idx.msk [tilespmem:v18+s16+$0x0], $0xffff  }
0x116: {  	v15 =	vld.idx.msk [tilespmem:v10+s16+$0x0], $0xffff  }
0x117: {  	v12 =	vld.idx.msk [tilespmem:v12+s16+$0x0], $0xffff  }
0x118: {  	v14 =	vld.idx.msk [tilespmem:v14+s16+$0x0], $0xffff  }
0x119: {  	v9 =	vld.idx.msk [tilespmem:v17+s16+$0x0], $0xffff  }
0x11a: {  	s5 =	sadd.s32 $0x1, s11;
	v11 =	vld.idx.msk [tilespmem:v11+s16+$0x0], $0xffff  }
0x11b: {  	v10 =	vld.idx.msk [tilespmem:v16+s16+$0x0], $0xffff;
	v16 =	vmov s5  }
.Ltmp3:
0x11c: {  	[tilespmem:s10+$0xFFFFFFC0] =	vst v8;
	v8 =	vand.u32 $0x3F, v16;
	(pc) =	sbr.rel @p0 .LBB2_9-.Ltmp3, $4  }
0x11d: {  	[tilespmem:s10+$0x10] =	vst v12;
	v8 =	vbroadcast v8, $0x0  }
0x11e: {  	[tilespmem:s10+$0x20] =	vst v13  }
0x11f: {  	[tilespmem:s10+$0xFFFFFFD0] =	vst v15;
	v12 =	vor.u32 v0, v8;
	v13 =	vor.u32 v5, v8  }
0x120: {  	[tilespmem:s10+$0x0] =	vst v14;
	v14 =	vor.u32 v7, v8  }
0x121: {  	_ = 	snop  }
0x122: {  	[tilespmem:s21+$0xFFFFFFE0] =	vst v11  }
0x123: {  	[tilespmem:s21+$0xFFFFFFF0] =	vst v9;
	v61 =	vor.u32 v3, v8  }
0x124: {  	[tilespmem:s21+$0x30] =	vst v10;
	v62 =	vor.u32 v6, v8  }
0x125: {  	v63 =	vor.u32 v1, v8;
	v13 =	vld.idx.msk [tilespmem:v13+s16+$0x0], $0xffff  }
0x126: {  	v15 =	vor.u32 v2, v8;
	v14 =	vld.idx.msk [tilespmem:v14+s16+$0x0], $0xffff  }
0x127: {  	v8 =	vor.u32 v4, v8;
	v12 =	vld.idx.msk [tilespmem:v12+s16+$0x0], $0xffff  }
0x128: {  	v9 =	vld.idx.msk [tilespmem:v61+s16+$0x0], $0xffff  }
0x129: {  	v10 =	vld.idx.msk [tilespmem:v62+s16+$0x0], $0xffff  }
0x12a: {  	s5 =	sand.u32 $0x380, s6;
	v11 =	vld.idx.msk [tilespmem:v63+s16+$0x0], $0xffff  }
0x12b: {  	s5 =	sor.u32 s5, s25;
	v15 =	vld.idx.msk [tilespmem:v15+s16+$0x0], $0xffff  }
0x12c: {  	v8 =	vld.idx.msk [tilespmem:v8+s16+$0x0], $0xffff;
	[tilespmem:s5+$0xC400] =	vst v12  }
0x12d: {  	[tilespmem:s5+$0xC470] =	vst v14  }
0x12e: {  	[tilespmem:s5+$0xC450] =	vst v13  }
0x12f: {  	[tilespmem:s5+$0xC430] =	vst v9  }
0x130: {  	s31 =	sadd.s32 $0x1, s31;
	[tilespmem:s5+$0xC460] =	vst v10  }
0x131: {  	p0 =	sne.s32 s31, $0x62;
	[tilespmem:s5+$0xC410] =	vst v11  }
.Ltmp4:
0x132: {  	[tilespmem:s5+$0xC440] =	vst v8;
	(pc) =	sbr.rel @p0 .LBB2_6-.Ltmp4, $4  }
0x133: {  	[tilespmem:s5+$0xC420] =	vst v15  }
0x134: {  	[hbm4b:s0+s18] =	stream.strided.scatter [tilespmem:s23], [sflag:$0x4], $0x2000, s19, s18, $0x38;
	[tilespmem:$0xE400] =	vst v63  }
0x135: {  	s25 =	sadd.s32 $0x280, s2  }
0x136: {  	[tilespmem:s16], [sflag:$0x2] =	stream.indirect.gather [hbm4b:s4+s24], $0x40, s25, s24, $0xb8;
	[tilespmem:$0xE400] =	vst v63  }
0x137: {  	s0 =	simm.s32 $0x0  }
0x138: {  	v8 =	vmov s0  }
0x139: {  	v8 =	vand.u32 $0x3E, v8  }
0x13a: {  	v8 =	vbroadcast v8, $0x0  }
0x13b: {  	_ =	swait.ge [sflag:s26], $0x2000  }
0x13c: {  	[sflag:s26] =	ssyncset.done $0x0;
	v9 =	vor.u32 v0, v8  }
0x13d: {  	[sflag:s26] =	ssyncadd.s32 $0xFFFFE000;
	v10 =	vor.u32 v6, v8  }
0x13e: {  	_ =	swait.ge [sflag:s17], $0x2000;
	v11 =	vor.u32 v1, v8  }
0x13f: {  	[sflag:s17] =	ssyncset.done $0x0;
	v12 =	vor.u32 v5, v8  }
0x140: {  	[sflag:s17] =	ssyncadd.s32 $0xFFFFE000;
	v13 =	vor.u32 v4, v8  }
0x141: {  	v14 =	vor.u32 v3, v8;
	v15 =	vld.idx.msk [tilespmem:v9+s15+$0x0], $0xffff  }
0x142: {  	v16 =	vor.u32 v2, v8;
	v8 =	vor.u32 v7, v8;
	v17 =	vld.idx.msk [tilespmem:v10+s15+$0x0], $0xffff  }
0x143: {  	v18 =	vld.idx.msk [tilespmem:v11+s15+$0x0], $0xffff  }
0x144: {  	v12 =	vld.idx.msk [tilespmem:v12+s15+$0x0], $0xffff  }
0x145: {  	v19 =	vld.idx.msk [tilespmem:v13+s15+$0x0], $0xffff  }
0x146: {  	s25 =	simm.s32 $0x1;
	v9 =	vld.idx.msk [tilespmem:v14+s15+$0x0], $0xffff  }
0x147: {  	s2 =	simm.s32 $0xA440;
	v10 =	vld.idx.msk [tilespmem:v8+s15+$0x0], $0xffff;
	v8 =	vmov s25  }
0x148: {  	v11 =	vld.idx.msk [tilespmem:v16+s15+$0x0], $0xffff;
	v8 =	vand.u32 $0x3F, v8;
	[tilespmem:s2+$0xFFFFFFC0] =	vst v15  }
0x149: {  	v8 =	vbroadcast v8, $0x0;
	[tilespmem:s2+$0x10] =	vst v12  }
0x14a: {  	[tilespmem:s2+$0x20] =	vst v17  }
0x14b: {  	s13 =	simm.s32 $0x80;
	s31 =	simm.s32 $0x0;
	s7 =	simm.s32 $0x2;
	v13 =	vor.u32 v5, v8;
	[tilespmem:s2+$0xFFFFFFD0] =	vst v18  }
0x14c: {  	s10 =	simm.s32 $0xA440;
	s6 =	simm.s32 $0x80;
	s0 =	sand.u32 $0x1C00, s31;
	v14 =	vor.u32 v7, v8;
	v12 =	vor.u32 v0, v8;
	[tilespmem:s2+$0x0] =	vst v19  }
.LBB2_12:
0x14d: {  	p0 =	slt.u32 s7, $0x3E;
	[tilespmem:s2+$0xFFFFFFE0] =	vst v11;
	s13 =	sadd.s32 $0x100, s13;
	s10 =	sadd.s32 $0x100, s10  }
0x14e: {  	s11 =	smov.u32 s7;
	s7 =	sadd.s32 $0x2, s7;
	s5 =	sadd.s32 $0xFFFFFF80, s13;
	[tilespmem:s2+$0xFFFFFFF0] =	vst v9;
	v9 =	vor.u32 v3, v8  }
0x14f: {  	s5 =	sand.u32 $0x1C00, s5;
	[tilespmem:s2+$0x30] =	vst v10;
	v10 =	vor.u32 v6, v8;
	s2 =	smov.u32 s10  }
0x150: {  	v11 =	vor.u32 v1, v8;
	v13 =	vld.idx.msk [tilespmem:v13+s15+$0x0], $0xffff  }
0x151: {  	v15 =	vor.u32 v2, v8;
	v14 =	vld.idx.msk [tilespmem:v14+s15+$0x0], $0xffff  }
0x152: {  	v8 =	vor.u32 v4, v8;
	v12 =	vld.idx.msk [tilespmem:v12+s15+$0x0], $0xffff  }
0x153: {  	v9 =	vld.idx.msk [tilespmem:v9+s15+$0x0], $0xffff  }
0x154: {  	v10 =	vld.idx.msk [tilespmem:v10+s15+$0x0], $0xffff  }
0x155: {  	v11 =	vld.idx.msk [tilespmem:v11+s15+$0x0], $0xffff  }
0x156: {  	s12 =	sand.u32 $0x380, s6;
	s6 =	smov.u32 s13;
	v15 =	vld.idx.msk [tilespmem:v15+s15+$0x0], $0xffff  }
0x157: {  	v16 =	vmov s11;
	s12 =	sor.u32 s12, s0;
	s0 =	smov.u32 s5;
	v8 =	vld.idx.msk [tilespmem:v8+s15+$0x0], $0xffff  }
0x158: {  	v16 =	vand.u32 $0x3E, v16;
	[tilespmem:s12+$0xA400] =	vst v12  }
0x159: {  	v12 =	vbroadcast v16, $0x0;
	[tilespmem:s12+$0xA430] =	vst v9  }
0x15a: {  	[tilespmem:s12+$0xA460] =	vst v10  }
0x15b: {  	v9 =	vor.u32 v0, v12;
	v10 =	vor.u32 v1, v12;
	v16 =	vor.u32 v7, v12;
	[tilespmem:s12+$0xA410] =	vst v11  }
0x15c: {  	v17 =	vor.u32 v3, v12;
	v18 =	vor.u32 v6, v12;
	v11 =	vor.u32 v2, v12;
	[tilespmem:s12+$0xA470] =	vst v14  }
0x15d: {  	v14 =	vor.u32 v4, v12;
	v12 =	vor.u32 v5, v12;
	[tilespmem:s12+$0xA440] =	vst v8  }
0x15e: {  	[tilespmem:s12+$0xA450] =	vst v13  }
0x15f: {  	[tilespmem:s12+$0xA420] =	vst v15  }
0x160: {  	v8 =	vld.idx.msk [tilespmem:v9+s15+$0x0], $0xffff  }
0x161: {  	v13 =	vld.idx.msk [tilespmem:v18+s15+$0x0], $0xffff  }
0x162: {  	v15 =	vld.idx.msk [tilespmem:v10+s15+$0x0], $0xffff  }
0x163: {  	v12 =	vld.idx.msk [tilespmem:v12+s15+$0x0], $0xffff  }
0x164: {  	v14 =	vld.idx.msk [tilespmem:v14+s15+$0x0], $0xffff  }
0x165: {  	v9 =	vld.idx.msk [tilespmem:v17+s15+$0x0], $0xffff  }
0x166: {  	s5 =	sadd.s32 $0x1, s11;
	v11 =	vld.idx.msk [tilespmem:v11+s15+$0x0], $0xffff  }
0x167: {  	v10 =	vld.idx.msk [tilespmem:v16+s15+$0x0], $0xffff;
	v16 =	vmov s5  }
.Ltmp5:
0x168: {  	[tilespmem:s10+$0xFFFFFFC0] =	vst v8;
	v8 =	vand.u32 $0x3F, v16;
	(pc) =	sbr.rel @p0 .LBB2_12-.Ltmp5, $4  }
0x169: {  	[tilespmem:s10+$0x10] =	vst v12;
	v8 =	vbroadcast v8, $0x0  }
0x16a: {  	[tilespmem:s10+$0x20] =	vst v13  }
0x16b: {  	[tilespmem:s10+$0xFFFFFFD0] =	vst v15;
	v12 =	vor.u32 v0, v8;
	v13 =	vor.u32 v5, v8  }
0x16c: {  	[tilespmem:s10+$0x0] =	vst v14;
	v14 =	vor.u32 v7, v8  }
0x16d: {  	_ = 	snop  }
0x16e: {  	[tilespmem:s2+$0xFFFFFFE0] =	vst v11  }
0x16f: {  	[tilespmem:s2+$0xFFFFFFF0] =	vst v9;
	v9 =	vor.u32 v3, v8  }
0x170: {  	[tilespmem:s2+$0x30] =	vst v10;
	v10 =	vor.u32 v6, v8  }
0x171: {  	v11 =	vor.u32 v1, v8;
	v13 =	vld.idx.msk [tilespmem:v13+s15+$0x0], $0xffff  }
0x172: {  	v15 =	vor.u32 v2, v8;
	v14 =	vld.idx.msk [tilespmem:v14+s15+$0x0], $0xffff  }
0x173: {  	v8 =	vor.u32 v4, v8;
	v12 =	vld.idx.msk [tilespmem:v12+s15+$0x0], $0xffff  }
0x174: {  	v9 =	vld.idx.msk [tilespmem:v9+s15+$0x0], $0xffff  }
0x175: {  	v10 =	vld.idx.msk [tilespmem:v10+s15+$0x0], $0xffff  }
0x176: {  	s12 =	sand.u32 $0x380, s6;
	v11 =	vld.idx.msk [tilespmem:v11+s15+$0x0], $0xffff  }
0x177: {  	s0 =	sor.u32 s12, s0;
	v15 =	vld.idx.msk [tilespmem:v15+s15+$0x0], $0xffff  }
0x178: {  	v8 =	vld.idx.msk [tilespmem:v8+s15+$0x0], $0xffff;
	[tilespmem:s0+$0xA400] =	vst v12  }
0x179: {  	[tilespmem:s0+$0xA470] =	vst v14  }
0x17a: {  	[tilespmem:s0+$0xA450] =	vst v13  }
0x17b: {  	[tilespmem:s0+$0xA430] =	vst v9  }
0x17c: {  	[tilespmem:s0+$0xA460] =	vst v10  }
0x17d: {  	s13 =	simm.s32 $0x0;
	[tilespmem:s0+$0xA410] =	vst v11  }
0x17e: {  	[tilespmem:s0+$0xA440] =	vst v8;
	v8 =	vmov s13  }
0x17f: {  	s21 =	rddreg [dreg:$0x6];
	[tilespmem:s0+$0xA420] =	vst v15;
	v8 =	vand.u32 $0x3E, v8  }
0x180: {  	[hbm4b:s21+s18] =	stream.strided.scatter [tilespmem:s20], [sflag:$0x3], $0x2000, s19, s18, $0x38;
	v8 =	vbroadcast v8, $0x0;
	[tilespmem:$0xE400] =	vst v63  }
0x181: {  	_ =	swait.ge [sflag:s28], $0x2000  }
0x182: {  	[sflag:s28] =	ssyncset.done $0x0;
	v9 =	vor.u32 v0, v8  }
0x183: {  	[sflag:s28] =	ssyncadd.s32 $0xFFFFE000;
	v10 =	vor.u32 v6, v8  }
0x184: {  	v11 =	vor.u32 v1, v8;
	_ =	swait.ge [sflag:s22], $0x2000  }
0x185: {  	v12 =	vor.u32 v5, v8;
	[sflag:s22] =	ssyncset.done $0x0  }
0x186: {  	v13 =	vor.u32 v4, v8;
	[sflag:s22] =	ssyncadd.s32 $0xFFFFE000  }
0x187: {  	v14 =	vor.u32 v3, v8;
	v15 =	vld.idx.msk [tilespmem:v9+s16+$0x0], $0xffff  }
0x188: {  	v16 =	vor.u32 v2, v8;
	v8 =	vor.u32 v7, v8;
	v17 =	vld.idx.msk [tilespmem:v10+s16+$0x0], $0xffff  }
0x189: {  	v18 =	vld.idx.msk [tilespmem:v11+s16+$0x0], $0xffff  }
0x18a: {  	v12 =	vld.idx.msk [tilespmem:v12+s16+$0x0], $0xffff  }
0x18b: {  	v19 =	vld.idx.msk [tilespmem:v13+s16+$0x0], $0xffff  }
0x18c: {  	s25 =	simm.s32 $0x1;
	v9 =	vld.idx.msk [tilespmem:v14+s16+$0x0], $0xffff  }
0x18d: {  	s2 =	simm.s32 $0xC440;
	v10 =	vld.idx.msk [tilespmem:v8+s16+$0x0], $0xffff;
	v8 =	vmov s25  }
0x18e: {  	v11 =	vld.idx.msk [tilespmem:v16+s16+$0x0], $0xffff;
	v8 =	vand.u32 $0x3F, v8;
	[tilespmem:s2+$0xFFFFFFC0] =	vst v15  }
0x18f: {  	v8 =	vbroadcast v8, $0x0;
	[tilespmem:s2+$0x10] =	vst v12  }
0x190: {  	[tilespmem:s2+$0x20] =	vst v17  }
0x191: {  	s31 =	simm.s32 $0x0;
	s7 =	simm.s32 $0x2;
	s10 =	simm.s32 $0xC440;
	v13 =	vor.u32 v5, v8;
	[tilespmem:s2+$0xFFFFFFD0] =	vst v18  }
0x192: {  	s6 =	simm.s32 $0x80;
	s13 =	simm.s32 $0x80;
	s0 =	sand.u32 $0x1C00, s31;
	v14 =	vor.u32 v7, v8;
	v12 =	vor.u32 v0, v8;
	[tilespmem:s2+$0x0] =	vst v19  }
.LBB2_14:
0x193: {  	p0 =	slt.u32 s7, $0x3E;
	[tilespmem:s2+$0xFFFFFFE0] =	vst v11;
	s13 =	sadd.s32 $0x100, s13;
	s10 =	sadd.s32 $0x100, s10  }
0x194: {  	s11 =	smov.u32 s7;
	s7 =	sadd.s32 $0x2, s7;
	s5 =	sadd.s32 $0xFFFFFF80, s13;
	[tilespmem:s2+$0xFFFFFFF0] =	vst v9;
	v9 =	vor.u32 v3, v8  }
0x195: {  	s5 =	sand.u32 $0x1C00, s5;
	[tilespmem:s2+$0x30] =	vst v10;
	v10 =	vor.u32 v6, v8;
	s2 =	smov.u32 s10  }
0x196: {  	v11 =	vor.u32 v1, v8;
	v13 =	vld.idx.msk [tilespmem:v13+s16+$0x0], $0xffff  }
0x197: {  	v15 =	vor.u32 v2, v8;
	v14 =	vld.idx.msk [tilespmem:v14+s16+$0x0], $0xffff  }
0x198: {  	v8 =	vor.u32 v4, v8;
	v12 =	vld.idx.msk [tilespmem:v12+s16+$0x0], $0xffff  }
0x199: {  	v9 =	vld.idx.msk [tilespmem:v9+s16+$0x0], $0xffff  }
0x19a: {  	v10 =	vld.idx.msk [tilespmem:v10+s16+$0x0], $0xffff  }
0x19b: {  	v11 =	vld.idx.msk [tilespmem:v11+s16+$0x0], $0xffff  }
0x19c: {  	s12 =	sand.u32 $0x380, s6;
	s6 =	smov.u32 s13;
	v15 =	vld.idx.msk [tilespmem:v15+s16+$0x0], $0xffff  }
0x19d: {  	v16 =	vmov s11;
	s12 =	sor.u32 s12, s0;
	s0 =	smov.u32 s5;
	v8 =	vld.idx.msk [tilespmem:v8+s16+$0x0], $0xffff  }
0x19e: {  	v16 =	vand.u32 $0x3E, v16;
	[tilespmem:s12+$0xC400] =	vst v12  }
0x19f: {  	v12 =	vbroadcast v16, $0x0;
	[tilespmem:s12+$0xC430] =	vst v9  }
0x1a0: {  	[tilespmem:s12+$0xC460] =	vst v10  }
0x1a1: {  	v9 =	vor.u32 v0, v12;
	v10 =	vor.u32 v1, v12;
	v16 =	vor.u32 v7, v12;
	[tilespmem:s12+$0xC410] =	vst v11  }
0x1a2: {  	v17 =	vor.u32 v3, v12;
	v18 =	vor.u32 v6, v12;
	v11 =	vor.u32 v2, v12;
	[tilespmem:s12+$0xC470] =	vst v14  }
0x1a3: {  	v14 =	vor.u32 v4, v12;
	v12 =	vor.u32 v5, v12;
	[tilespmem:s12+$0xC440] =	vst v8  }
0x1a4: {  	[tilespmem:s12+$0xC450] =	vst v13  }
0x1a5: {  	[tilespmem:s12+$0xC420] =	vst v15  }
0x1a6: {  	v8 =	vld.idx.msk [tilespmem:v9+s16+$0x0], $0xffff  }
0x1a7: {  	v13 =	vld.idx.msk [tilespmem:v18+s16+$0x0], $0xffff  }
0x1a8: {  	v15 =	vld.idx.msk [tilespmem:v10+s16+$0x0], $0xffff  }
0x1a9: {  	v12 =	vld.idx.msk [tilespmem:v12+s16+$0x0], $0xffff  }
0x1aa: {  	v14 =	vld.idx.msk [tilespmem:v14+s16+$0x0], $0xffff  }
0x1ab: {  	v9 =	vld.idx.msk [tilespmem:v17+s16+$0x0], $0xffff  }
0x1ac: {  	s5 =	sadd.s32 $0x1, s11;
	v11 =	vld.idx.msk [tilespmem:v11+s16+$0x0], $0xffff  }
0x1ad: {  	v10 =	vld.idx.msk [tilespmem:v16+s16+$0x0], $0xffff;
	v16 =	vmov s5  }
.Ltmp6:
0x1ae: {  	[tilespmem:s10+$0xFFFFFFC0] =	vst v8;
	v8 =	vand.u32 $0x3F, v16;
	(pc) =	sbr.rel @p0 .LBB2_14-.Ltmp6, $4  }
0x1af: {  	[tilespmem:s10+$0x10] =	vst v12;
	v8 =	vbroadcast v8, $0x0  }
0x1b0: {  	[tilespmem:s10+$0x20] =	vst v13  }
0x1b1: {  	[tilespmem:s10+$0xFFFFFFD0] =	vst v15;
	v12 =	vor.u32 v0, v8;
	v13 =	vor.u32 v5, v8  }
0x1b2: {  	[tilespmem:s10+$0x0] =	vst v14;
	v14 =	vor.u32 v7, v8  }
0x1b3: {  	_ = 	snop  }
0x1b4: {  	[tilespmem:s2+$0xFFFFFFE0] =	vst v11  }
0x1b5: {  	[tilespmem:s2+$0xFFFFFFF0] =	vst v9;
	v61 =	vor.u32 v3, v8  }
0x1b6: {  	[tilespmem:s2+$0x30] =	vst v10;
	v62 =	vor.u32 v6, v8  }
0x1b7: {  	v63 =	vor.u32 v1, v8;
	v13 =	vld.idx.msk [tilespmem:v13+s16+$0x0], $0xffff  }
0x1b8: {  	v15 =	vor.u32 v2, v8;
	v14 =	vld.idx.msk [tilespmem:v14+s16+$0x0], $0xffff  }
0x1b9: {  	v8 =	vor.u32 v4, v8;
	v12 =	vld.idx.msk [tilespmem:v12+s16+$0x0], $0xffff  }
0x1ba: {  	v9 =	vld.idx.msk [tilespmem:v61+s16+$0x0], $0xffff  }
0x1bb: {  	v10 =	vld.idx.msk [tilespmem:v62+s16+$0x0], $0xffff  }
0x1bc: {  	s21 =	sand.u32 $0x380, s6;
	v11 =	vld.idx.msk [tilespmem:v63+s16+$0x0], $0xffff  }
0x1bd: {  	s0 =	sor.u32 s21, s0;
	v15 =	vld.idx.msk [tilespmem:v15+s16+$0x0], $0xffff  }
0x1be: {  	v8 =	vld.idx.msk [tilespmem:v8+s16+$0x0], $0xffff;
	[tilespmem:s0+$0xC400] =	vst v12  }
0x1bf: {  	[tilespmem:s0+$0xC470] =	vst v14  }
0x1c0: {  	[tilespmem:s0+$0xC450] =	vst v13  }
0x1c1: {  	[tilespmem:s0+$0xC430] =	vst v9  }
0x1c2: {  	[tilespmem:s0+$0xC460] =	vst v10  }
0x1c3: {  	[tilespmem:s0+$0xC410] =	vst v11  }
0x1c4: {  	[tilespmem:s0+$0xC440] =	vst v8  }
0x1c5: {  	s25 =	rddreg [dreg:$0x7];
	[tilespmem:s0+$0xC420] =	vst v15  }
0x1c6: {  	[hbm4b:s25+s18] =	stream.strided.scatter [tilespmem:s23], [sflag:$0x4], $0x2000, s19, s18, $0x38;
	[tilespmem:$0xE400] =	vst v63  }
0x1c7: {  	_ =	swait.ge [sflag:s26], $0x2000  }
0x1c8: {  	[sflag:s26] =	ssyncset.done $0x0  }
0x1c9: {  	[sflag:s26] =	ssyncadd.s32 $0xFFFFE000  }
0x1ca: {  	_ =	swait.ge [sflag:s28], $0x2000  }
0x1cb: {  	s29 =	sadd.s32 $0x1, s29;
	s31 =	rddreg [dreg:$0x8]  }
0x1cc: {  	p0 =	sne.s32 s29, s31  }
.Ltmp7:
0x1cd: {  	_ = 	snop;
	(pc) =	sbr.rel @p0 .LBB2_1-.Ltmp7, $3  }
0x1ce: {  	_ =	sdelay $0x1  }
0x1cf: {  	[sflag:s28] =	ssyncset.done $0x0  }
0x1d0: {  	[sflag:s28] =	ssyncadd.s32 $0xFFFFE000  }
0x1d1: {  	_ =	sfence.sel $0x180000  }
0x1d2: {  	[bflag:$0x0] =	sbarrier.arrive $0xFFFF  }
0x1d3: {  	_ =	strace $0x90000047  }
0x1d4: {  	s0 =	stileid.u32;
	[bflag:$0x2] =	sbarrier.arrive $0xFFFF  }
0x1d5: {  	p0 =	sne.s32 s0, $0x0;
	s0 =	rddreg [dreg:$0x2]  }
0x1d6: {  	s0 =	sadd.s32 @!p0 $0x100000, s0  }
0x1d7: {  	[sflag:s0] =	ssyncadd.tile.s32 @!p0 $0x1;
	_ =	shalt  }
.Lfunc_end2:
_tile_overlayer_lowered:
.L_overlay_start_2:
0x1d8: {  	(tag) =	ssettag $0x2  }
0x1d9: {  	s0 =	rddreg [dreg:$0x0];
	s2 =	stileid.u32  }
0x1da: {  	s1 =	rddreg [dreg:$0x1];
	p0 =	sne.s32 s2, $0x0  }
0x1db: {  	s3 =	rddreg [dreg:$0x2];
	[bflag:$0x3] =	sbarrier.arrive $0xFFFF;
	s2 =	simm.s32 @!p0 $0x1C05  }
0x1dc: {  	[timem:s3], [sflag:s2] =	dma.local @!p0 [hbm:s0], s1  }
0x1dd: {  	s0 =	simm.s32 @!p0 $0x5  }
0x1de: {  	_ =	swait.ge @!p0 [sflag:s0], s1  }
0x1df: {  	s1 =	ssub.s32 @!p0 $0x0, s1;
	[sflag:s0] =	ssyncset.done @!p0 $0x0  }
0x1e0: {  	[sflag:s0] =	ssyncadd.s32 @!p0 s1  }
0x1e1: {  	[bflag:$0x3] =	sbarrier.arrive $0xFFFF  }
0x1e2: {  	_ =	shalt  }

</sc_bundles>
